<compile_context>
chip_gen: v7x
topology: tpu7x:2x2x1
jax: 0.10.2.dev20260603
libtpu: 0.0.44.dev20260713+nightly
codegen_flags: <defaults>
</compile_context>

<pallas_src>
import functools

import jax
import jax.numpy as jnp
from jax import lax
from jax.experimental import pallas as pl
from jax.experimental.pallas import tpu as pltpu
from jax.experimental.pallas import tpu_sc as plsc

ND = 16777216
NB = 1048576
NLAM = 16
NC, NS = 2, 16
NW = NC * NS
CH = NB // NW
HALF = CH // 2
ROWS = NB // 128
RPW = ROWS // NW
RPH = RPW // 2
NP_W = ND + NB
R_ROUNDS = 1

_mesh = functools.partial(
    plsc.VectorSubcoreMesh,
    core_axis_name="c",
    subcore_axis_name="s",
    num_cores=NC,
    num_subcores=NS,
)


def _wid():
  return lax.axis_index("s") * NC + lax.axis_index("c")


def _fire_drain(n, mk):
  def start(r, carry):
    mk(r).start()
    return carry
  lax.fori_loop(0, n, start, 0)
  def drain(r, carry):
    mk(r).wait()
    return carry
  lax.fori_loop(0, n, drain, 0)


def _copy_body(q_ref, o_ref):
  o_ref[...] = q_ref[...]


def _tc_copy(q):
  qm = q.reshape(2048, 8192)
  out = pl.pallas_call(
      _copy_body,
      grid=(32,),
      in_specs=[pl.BlockSpec((64, 8192), lambda i: (i, 0))],
      out_specs=pl.BlockSpec((64, 8192), lambda i: (i, 0)),
      out_shape=jax.ShapeDtypeStruct((2048, 8192), jnp.float32),
      compiler_params=pltpu.CompilerParams(
          dimension_semantics=("arbitrary",)),
  )(qm)
  return out.reshape(-1)


def _interp_body(t_ref, x0_ref, x1_ref, o_ref):
  t = t_ref[0]
  o_ref[...] = (1.0 - t) * x0_ref[...] + t * x1_ref[...]


def _tc_interp(xb0, xb1, t):
  tarr = jnp.full((1,), t, jnp.float32)
  x0m = xb0.reshape(1024, 1024)
  x1m = xb1.reshape(1024, 1024)
  out = pl.pallas_call(
      _interp_body,
      grid=(4,),
      in_specs=[
          pl.BlockSpec(memory_space=pltpu.SMEM),
          pl.BlockSpec((256, 1024), lambda i: (i, 0)),
          pl.BlockSpec((256, 1024), lambda i: (i, 0)),
      ],
      out_specs=pl.BlockSpec((256, 1024), lambda i: (i, 0)),
      out_shape=jax.ShapeDtypeStruct((1024, 1024), jnp.float32),
      compiler_params=pltpu.CompilerParams(
          dimension_semantics=("arbitrary",)),
  )(tarr, x0m, x1m)
  return out.reshape(-1)


def _b1_body(idx2, ords, w_hbm, idxv, bv, sem):
  wid = _wid()
  rowbase = wid * RPW
  for h in range(2):
    rb = rowbase + h * RPH
    pltpu.sync_copy(idx2.at[pl.ds(rb, RPH), :], idxv)
    pltpu.sync_copy(ords.at[pl.ds(rb, RPH), :], bv)
    _fire_drain(
        RPH,
        lambda r: pltpu.make_async_copy(
            bv.at[r], w_hbm.at[idxv.at[r]], sem),
    )


def _cg_body(idx2, w_hbm, ghbm, idxv, gv, sem):
  wid = _wid()
  rowbase = wid * RPW
  for h in range(2):
    rb = rowbase + h * RPH
    pltpu.sync_copy(idx2.at[pl.ds(rb, RPH), :], idxv)
    _fire_drain(
        RPH,
        lambda r: pltpu.make_async_copy(
            w_hbm.at[idxv.at[r]], gv.at[r], sem),
    )
    pltpu.sync_copy(gv, ghbm.at[pl.ds(rb, RPH), :])


def _viol_body(idx_ref, ord_ref, g_ref, t_ref):
  viol = ord_ref[...] > g_ref[...]
  dump = ND + (ord_ref[...] % 128) * ROWS + ord_ref[...] // 128
  t_ref[...] = jnp.where(viol, idx_ref[...], dump)


def _tc_viol(idx2, ords, g2):
  return pl.pallas_call(
      _viol_body,
      grid=(4,),
      in_specs=[
          pl.BlockSpec((ROWS // 4, 128), lambda i: (i, 0)),
          pl.BlockSpec((ROWS // 4, 128), lambda i: (i, 0)),
          pl.BlockSpec((ROWS // 4, 128), lambda i: (i, 0)),
      ],
      out_specs=pl.BlockSpec((ROWS // 4, 128), lambda i: (i, 0)),
      out_shape=jax.ShapeDtypeStruct((ROWS, 128), jnp.int32),
      compiler_params=pltpu.CompilerParams(
          dimension_semantics=("arbitrary",)),
  )(idx2, ords, g2)


def _cs_body(tgt2, ords, w_hbm, bv, tv, sem):
  wid = _wid()
  rowbase = wid * RPW
  for h in range(2):
    rb = rowbase + h * RPH
    pltpu.sync_copy(ords.at[pl.ds(rb, RPH), :], bv)
    pltpu.sync_copy(tgt2.at[pl.ds(rb, RPH), :], tv)
    _fire_drain(
        RPH,
        lambda r: pltpu.make_async_copy(
            bv.at[r], w_hbm.at[tv.at[r]], sem),
    )


def _d_body(idx2, vflat, w_hbm, out_hbm, idxv, wv, vv, sem):
  wid = _wid()
  rowbase = wid * RPW
  for h in range(2):
    rb = rowbase + h * RPH
    pltpu.sync_copy(idx2.at[pl.ds(rb, RPH), :], idxv)
    _fire_drain(
        RPH,
        lambda r: pltpu.make_async_copy(
            w_hbm.at[idxv.at[r]], wv.at[r], sem),
    )
    _fire_drain(
        RPH,
        lambda r: pltpu.make_async_copy(
            vflat.at[wv.at[r]], vv.at[r], sem),
    )
    _fire_drain(
        RPH,
        lambda r: pltpu.make_async_copy(
            vv.at[r], out_hbm.at[idxv.at[r]], sem),
    )


def kernel(q, _lambda, xb, lambdas, idx_b):
  lam_q = jnp.clip(_lambda, lambdas[0], lambdas[-1])
  i = jnp.searchsorted(lambdas, lam_q, side="right") - 1
  i = jnp.clip(i, 0, NLAM - 2)
  lam0 = lambdas[i]
  lam1 = lambdas[i + 1]
  t = (lam_q - lam0) / jnp.maximum(lam1 - lam0, 1e-12)
  xbp = lax.dynamic_slice_in_dim(xb, i, 2, axis=0)
  idx2 = idx_b.reshape(ROWS, 128)

  mesh = _mesh()
  f32 = jnp.float32
  i32 = jnp.int32

  b1 = pl.kernel(
      _b1_body,
      out_type=(),
      mesh=mesh,
      scratch_types=[
          pltpu.VMEM((RPH, 128), i32),
          pltpu.VMEM((RPH, 128), i32),
          pltpu.SemaphoreType.DMA,
      ],
  )
  cg = pl.kernel(
      _cg_body,
      out_type=jax.ShapeDtypeStruct((ROWS, 128), i32),
      mesh=mesh,
      scratch_types=[
          pltpu.VMEM((RPH, 128), i32),
          pltpu.VMEM((RPH, 128), i32),
          pltpu.SemaphoreType.DMA,
      ],
  )
  cs = pl.kernel(
      _cs_body,
      out_type=(),
      mesh=mesh,
      scratch_types=[
          pltpu.VMEM((RPH, 128), i32),
          pltpu.VMEM((RPH, 128), i32),
          pltpu.SemaphoreType.DMA,
      ],
  )
  dk = pl.kernel(
      _d_body,
      out_type=(),
      mesh=mesh,
      scratch_types=[
          pltpu.VMEM((RPH, 128), i32),
          pltpu.VMEM((RPH, 128), i32),
          pltpu.VMEM((RPH, 128), f32),
          pltpu.SemaphoreType.DMA,
      ],
  )

  out0 = _tc_copy(q)
  vflat = _tc_interp(xbp[0], xbp[1], t)
  ords = jnp.arange(NB, dtype=i32).reshape(ROWS, 128)
  out_ref = jax.new_ref(out0)
  w_ref = jax.new_ref(jnp.zeros((NP_W,), i32))

  b1(idx2, ords, w_ref)
  for _ in range(R_ROUNDS):
    g2 = cg(idx2, w_ref)
    tgt2 = _tc_viol(idx2, ords, g2)
    cs(tgt2, ords, w_ref)
  dk(idx2, vflat, w_ref, out_ref)
  return out_ref[...]

# --- scband reference (transcript-rebuilt; emitter-appended) ---
"""Pipeline reference for scband-direct-bc-70523363000760 (READ-ONLY COPY).

The authoritative reference and input builder live on the scoring server;
editing this copy changes nothing except your own understanding.
"""

import jax, jax.numpy as jnp
import numpy as np

N_DOFS = 16777216
N_B = 1048576
N_LAMBDA = 16


def setup_inputs(seed: int = 0) -> dict:
    key = jax.random.key(seed)
    k1, k2, k3, k4 = jax.random.split(key, 4)
    q = jax.random.normal(k1, (N_DOFS,), dtype=jnp.float32)
    _lambda = jax.random.uniform(k2, (), minval=0.0, maxval=1.0, dtype=jnp.float32)
    xb = jax.random.normal(k3, (N_LAMBDA, N_B), dtype=jnp.float32)
    # lambdas must be sorted (it is a load-parameter grid); use an increasing grid on [0, 1]
    lambdas = jnp.linspace(0.0, 1.0, N_LAMBDA, dtype=jnp.float32)
    idx_b = jax.random.randint(k4, (N_B,), 0, N_DOFS, dtype=jnp.int32)
    return {"q": q, "_lambda": _lambda, "xb": xb, "lambdas": lambdas, "idx_b": idx_b}


def reference(q, _lambda, xb, lambdas, idx_b):
    # Faithful translation of DirectBC.apply
    lam = lambdas
    lam_query = jnp.clip(_lambda, lam[0], lam[-1])
    i = jnp.searchsorted(lam, lam_query, side='right') - 1
    i = jnp.clip(i, 0, lam.shape[0] - 2)
    lam0 = lam[i]
    lam1 = lam[i + 1]
    xb0 = xb[i]
    xb1 = xb[i + 1]
    t = (lam_query - lam0) / jnp.maximum(lam1 - lam0, 1e-12)
    values = (1.0 - t) * xb0 + t * xb1
    return q.at[idx_b].set(values)

if __name__ == "__main__":
    import jax
    _d = setup_inputs()
    print(jax.jit(kernel)(*tuple(_d.values())))

</pallas_src>

<mosaic_0001>
#map = affine_map<(d0, d1) -> (0, 0)>
#map1 = affine_map<(d0, d1) -> (0)>
module attributes {stable_mosaic.version = 14 : i64} {
  func.func @new_body(%arg0: i32, %arg1: i32, %arg2: memref<8192x128xi32, #tpu.memory_space<hbm>>, %arg3: memref<17825792xi32, #tpu.memory_space<hbm>>, %arg4: memref<8192x128xi32, #tpu.memory_space<hbm>>, %arg5: memref<17825792xi32, #tpu.memory_space<hbm>>, %arg6: memref<128x128xi32, #tpu.memory_space<vmem>>, %arg7: memref<128x128xi32, #tpu.memory_space<vmem>>, %arg8: memref<!tpu.dma_semaphore, #tpu.memory_space<semaphore_mem>>) attributes {dimension_semantics = [#tpu.dimension_semantics<core_parallel>, #tpu.dimension_semantics<subcore_parallel>], iteration_bounds = array<i64: 2, 16>, scalar_prefetch = 0 : i64, scratch_operands = 3 : i64, tpu.core_type = #tpu.core_type<sc_vector_subcore>, window_params = [{transform_indices = #map}, {transform_indices = #map1}, {transform_indices = #map}, {transform_indices = #map1}]} {
    %mul3A = arith.constant 2 : i32
    %mul3A_0 = arith.muli %arg1, %mul3A : i32
    %add3A = arith.addi %mul3A_0, %arg0 : i32
    %mul3A_1 = arith.constant 256 : i32
    %mul3A_2 = arith.muli %add3A, %mul3A_1 : i32
    %add3A_3 = arith.constant 0 : i32
    %add3A_4 = arith.addi %mul3A_2, %add3A_3 : i32
    "tpu.region"() ({
      %run_scoped3A = tpu.sem_alloc : memref<!tpu.dma_semaphore, #tpu.memory_space<semaphore_mem>>
      %dma_start3A = arith.constant 0 : i32
      %dma_start3A_30 = tpu.memref_slice %arg2[%add3A_4, %dma_start3A] : memref<8192x128xi32, #tpu.memory_space<hbm>> -> memref<128x128xi32, #tpu.memory_space<hbm>>
      %dma_start3A_31 = arith.constant 0 : i32
      %dma_start3A_32 = tpu.memref_slice %arg2[%add3A_4, %dma_start3A_31] : memref<8192x128xi32, #tpu.memory_space<hbm>> -> memref<128x128xi32, #tpu.memory_space<hbm>>
      tpu.enqueue_dma source(%dma_start3A_32 : memref<128x128xi32, #tpu.memory_space<hbm>>) target(%arg6 : memref<128x128xi32, #tpu.memory_space<vmem>>) target_semaphore(%run_scoped3A : memref<!tpu.dma_semaphore, #tpu.memory_space<semaphore_mem>>)
      %dma_wait3A = arith.constant 0 : i32
      %dma_wait3A_33 = tpu.memref_slice %arg2[%add3A_4, %dma_wait3A] : memref<8192x128xi32, #tpu.memory_space<hbm>> -> memref<128x128xi32, #tpu.memory_space<hbm>>
      %dma_wait3A_34 = arith.constant 0 : i32
      %dma_wait3A_35 = tpu.memref_slice %arg2[%add3A_4, %dma_wait3A_34] : memref<8192x128xi32, #tpu.memory_space<hbm>> -> memref<128x128xi32, #tpu.memory_space<hbm>>
      tpu.wait_dma2 semaphore(%run_scoped3A : memref<!tpu.dma_semaphore, #tpu.memory_space<semaphore_mem>>) src(%dma_wait3A_35 : memref<128x128xi32, #tpu.memory_space<hbm>>) dst(%arg6 : memref<128x128xi32, #tpu.memory_space<vmem>>)
      tpu.yield
    }) : () -> ()
    %scan3A = arith.constant 0 : i32
    %scan3A_5 = arith.constant 0 : i32
    %scan3A_6 = arith.constant 128 : i32
    %scan3A_7 = arith.addi %scan3A_5, %scan3A_6 : i32
    %scan3A_8 = arith.constant 1 : i32
    scf.for %scan3A_30 = %scan3A_5 to %scan3A_7 step %scan3A_8  : i32 {
      %dma_start3A = arith.constant 0 : i32
      %dma_start3A_31 = tpu.memref_slice %arg7[%scan3A_30, %dma_start3A] : memref<128x128xi32, #tpu.memory_space<vmem>> -> memref<1x128xi32, #tpu.memory_space<vmem>>
      %dma_start3A_32 = tpu.memref_squeeze %dma_start3A_31 : memref<1x128xi32, #tpu.memory_space<vmem>> -> memref<128xi32, #tpu.memory_space<vmem>>
      %dma_start3A_33 = arith.constant 0 : i32
      %dma_start3A_34 = tpu.memref_slice %arg6[%scan3A_30, %dma_start3A_33] : memref<128x128xi32, #tpu.memory_space<vmem>> -> memref<1x128xi32, #tpu.memory_space<vmem>>
      %dma_start3A_35 = tpu.memref_squeeze %dma_start3A_34 : memref<1x128xi32, #tpu.memory_space<vmem>> -> memref<128xi32, #tpu.memory_space<vmem>>
      %dma_start3A_36 = arith.constant 0 : i32
      %dma_start3A_37 = tpu.memref_slice %arg3[%dma_start3A_36] : memref<17825792xi32, #tpu.memory_space<hbm>> -> memref<17825792xi32, #tpu.memory_space<hbm>>
      tpu.enqueue_indirect_dma source(%dma_start3A_37 : memref<17825792xi32, #tpu.memory_space<hbm>>) target(%dma_start3A_32 : memref<128xi32, #tpu.memory_space<vmem>>) offsets(%dma_start3A_35 : memref<128xi32, #tpu.memory_space<vmem>>) semaphore(%arg8 : memref<!tpu.dma_semaphore, #tpu.memory_space<semaphore_mem>>)
    }
    %scan3A_9 = arith.constant 128 : i32
    %scan3A_10 = arith.constant 0 : i32
    %scan3A_11 = arith.constant 0 : i32
    %scan3A_12 = arith.constant 128 : i32
    %scan3A_13 = arith.addi %scan3A_11, %scan3A_12 : i32
    %scan3A_14 = arith.constant 1 : i32
    scf.for %scan3A_30 = %scan3A_11 to %scan3A_13 step %scan3A_14  : i32 {
      %dma_wait3A = arith.constant 0 : i32
      %dma_wait3A_31 = tpu.memref_slice %arg7[%scan3A_30, %dma_wait3A] : memref<128x128xi32, #tpu.memory_space<vmem>> -> memref<1x128xi32, #tpu.memory_space<vmem>>
      %dma_wait3A_32 = tpu.memref_squeeze %dma_wait3A_31 : memref<1x128xi32, #tpu.memory_space<vmem>> -> memref<128xi32, #tpu.memory_space<vmem>>
      %dma_wait3A_33 = arith.constant 0 : i32
      %dma_wait3A_34 = tpu.memref_slice %arg6[%scan3A_30, %dma_wait3A_33] : memref<128x128xi32, #tpu.memory_space<vmem>> -> memref<1x128xi32, #tpu.memory_space<vmem>>
      %dma_wait3A_35 = tpu.memref_squeeze %dma_wait3A_34 : memref<1x128xi32, #tpu.memory_space<vmem>> -> memref<128xi32, #tpu.memory_space<vmem>>
      %dma_wait3A_36 = arith.constant 0 : i32
      %dma_wait3A_37 = tpu.memref_slice %arg3[%dma_wait3A_36] : memref<17825792xi32, #tpu.memory_space<hbm>> -> memref<17825792xi32, #tpu.memory_space<hbm>>
      tpu.wait_indirect_dma semaphore(%arg8 : memref<!tpu.dma_semaphore, #tpu.memory_space<semaphore_mem>>) src(%dma_wait3A_37 : memref<17825792xi32, #tpu.memory_space<hbm>>) dst(%dma_wait3A_32 : memref<128xi32, #tpu.memory_space<vmem>>)
    }
    %scan3A_15 = arith.constant 128 : i32
    "tpu.region"() ({
      %run_scoped3A = tpu.sem_alloc : memref<!tpu.dma_semaphore, #tpu.memory_space<semaphore_mem>>
      %dma_start3A = arith.constant 0 : i32
      %dma_start3A_30 = tpu.memref_slice %arg4[%add3A_4, %dma_start3A] : memref<8192x128xi32, #tpu.memory_space<hbm>> -> memref<128x128xi32, #tpu.memory_space<hbm>>
      %dma_start3A_31 = arith.constant 0 : i32
      %dma_start3A_32 = tpu.memref_slice %arg4[%add3A_4, %dma_start3A_31] : memref<8192x128xi32, #tpu.memory_space<hbm>> -> memref<128x128xi32, #tpu.memory_space<hbm>>
      tpu.enqueue_dma source(%arg7 : memref<128x128xi32, #tpu.memory_space<vmem>>) target(%dma_start3A_32 : memref<128x128xi32, #tpu.memory_space<hbm>>) target_semaphore(%run_scoped3A : memref<!tpu.dma_semaphore, #tpu.memory_space<semaphore_mem>>)
      %dma_wait3A = arith.constant 0 : i32
      %dma_wait3A_33 = tpu.memref_slice %arg4[%add3A_4, %dma_wait3A] : memref<8192x128xi32, #tpu.memory_space<hbm>> -> memref<128x128xi32, #tpu.memory_space<hbm>>
      %dma_wait3A_34 = arith.constant 0 : i32
      %dma_wait3A_35 = tpu.memref_slice %arg4[%add3A_4, %dma_wait3A_34] : memref<8192x128xi32, #tpu.memory_space<hbm>> -> memref<128x128xi32, #tpu.memory_space<hbm>>
      tpu.wait_dma2 semaphore(%run_scoped3A : memref<!tpu.dma_semaphore, #tpu.memory_space<semaphore_mem>>) src(%arg7 : memref<128x128xi32, #tpu.memory_space<vmem>>) dst(%dma_wait3A_35 : memref<128x128xi32, #tpu.memory_space<hbm>>)
      tpu.yield
    }) : () -> ()
    %add3A_16 = arith.constant 128 : i32
    %add3A_17 = arith.addi %mul3A_2, %add3A_16 : i32
    "tpu.region"() ({
      %run_scoped3A = tpu.sem_alloc : memref<!tpu.dma_semaphore, #tpu.memory_space<semaphore_mem>>
      %dma_start3A = arith.constant 0 : i32
      %dma_start3A_30 = tpu.memref_slice %arg2[%add3A_17, %dma_start3A] : memref<8192x128xi32, #tpu.memory_space<hbm>> -> memref<128x128xi32, #tpu.memory_space<hbm>>
      %dma_start3A_31 = arith.constant 0 : i32
      %dma_start3A_32 = tpu.memref_slice %arg2[%add3A_17, %dma_start3A_31] : memref<8192x128xi32, #tpu.memory_space<hbm>> -> memref<128x128xi32, #tpu.memory_space<hbm>>
      tpu.enqueue_dma source(%dma_start3A_32 : memref<128x128xi32, #tpu.memory_space<hbm>>) target(%arg6 : memref<128x128xi32, #tpu.memory_space<vmem>>) target_semaphore(%run_scoped3A : memref<!tpu.dma_semaphore, #tpu.memory_space<semaphore_mem>>)
      %dma_wait3A = arith.constant 0 : i32
      %dma_wait3A_33 = tpu.memref_slice %arg2[%add3A_17, %dma_wait3A] : memref<8192x128xi32, #tpu.memory_space<hbm>> -> memref<128x128xi32, #tpu.memory_space<hbm>>
      %dma_wait3A_34 = arith.constant 0 : i32
      %dma_wait3A_35 = tpu.memref_slice %arg2[%add3A_17, %dma_wait3A_34] : memref<8192x128xi32, #tpu.memory_space<hbm>> -> memref<128x128xi32, #tpu.memory_space<hbm>>
      tpu.wait_dma2 semaphore(%run_scoped3A : memref<!tpu.dma_semaphore, #tpu.memory_space<semaphore_mem>>) src(%dma_wait3A_35 : memref<128x128xi32, #tpu.memory_space<hbm>>) dst(%arg6 : memref<128x128xi32, #tpu.memory_space<vmem>>)
      tpu.yield
    }) : () -> ()
    %scan3A_18 = arith.constant 0 : i32
    %scan3A_19 = arith.constant 0 : i32
    %scan3A_20 = arith.constant 128 : i32
    %scan3A_21 = arith.addi %scan3A_19, %scan3A_20 : i32
    %scan3A_22 = arith.constant 1 : i32
    scf.for %scan3A_30 = %scan3A_19 to %scan3A_21 step %scan3A_22  : i32 {
      %dma_start3A = arith.constant 0 : i32
      %dma_start3A_31 = tpu.memref_slice %arg7[%scan3A_30, %dma_start3A] : memref<128x128xi32, #tpu.memory_space<vmem>> -> memref<1x128xi32, #tpu.memory_space<vmem>>
      %dma_start3A_32 = tpu.memref_squeeze %dma_start3A_31 : memref<1x128xi32, #tpu.memory_space<vmem>> -> memref<128xi32, #tpu.memory_space<vmem>>
      %dma_start3A_33 = arith.constant 0 : i32
      %dma_start3A_34 = tpu.memref_slice %arg6[%scan3A_30, %dma_start3A_33] : memref<128x128xi32, #tpu.memory_space<vmem>> -> memref<1x128xi32, #tpu.memory_space<vmem>>
      %dma_start3A_35 = tpu.memref_squeeze %dma_start3A_34 : memref<1x128xi32, #tpu.memory_space<vmem>> -> memref<128xi32, #tpu.memory_space<vmem>>
      %dma_start3A_36 = arith.constant 0 : i32
      %dma_start3A_37 = tpu.memref_slice %arg3[%dma_start3A_36] : memref<17825792xi32, #tpu.memory_space<hbm>> -> memref<17825792xi32, #tpu.memory_space<hbm>>
      tpu.enqueue_indirect_dma source(%dma_start3A_37 : memref<17825792xi32, #tpu.memory_space<hbm>>) target(%dma_start3A_32 : memref<128xi32, #tpu.memory_space<vmem>>) offsets(%dma_start3A_35 : memref<128xi32, #tpu.memory_space<vmem>>) semaphore(%arg8 : memref<!tpu.dma_semaphore, #tpu.memory_space<semaphore_mem>>)
    }
    %scan3A_23 = arith.constant 128 : i32
    %scan3A_24 = arith.constant 0 : i32
    %scan3A_25 = arith.constant 0 : i32
    %scan3A_26 = arith.constant 128 : i32
    %scan3A_27 = arith.addi %scan3A_25, %scan3A_26 : i32
    %scan3A_28 = arith.constant 1 : i32
    scf.for %scan3A_30 = %scan3A_25 to %scan3A_27 step %scan3A_28  : i32 {
      %dma_wait3A = arith.constant 0 : i32
      %dma_wait3A_31 = tpu.memref_slice %arg7[%scan3A_30, %dma_wait3A] : memref<128x128xi32, #tpu.memory_space<vmem>> -> memref<1x128xi32, #tpu.memory_space<vmem>>
      %dma_wait3A_32 = tpu.memref_squeeze %dma_wait3A_31 : memref<1x128xi32, #tpu.memory_space<vmem>> -> memref<128xi32, #tpu.memory_space<vmem>>
      %dma_wait3A_33 = arith.constant 0 : i32
      %dma_wait3A_34 = tpu.memref_slice %arg6[%scan3A_30, %dma_wait3A_33] : memref<128x128xi32, #tpu.memory_space<vmem>> -> memref<1x128xi32, #tpu.memory_space<vmem>>
      %dma_wait3A_35 = tpu.memref_squeeze %dma_wait3A_34 : memref<1x128xi32, #tpu.memory_space<vmem>> -> memref<128xi32, #tpu.memory_space<vmem>>
      %dma_wait3A_36 = arith.constant 0 : i32
      %dma_wait3A_37 = tpu.memref_slice %arg3[%dma_wait3A_36] : memref<17825792xi32, #tpu.memory_space<hbm>> -> memref<17825792xi32, #tpu.memory_space<hbm>>
      tpu.wait_indirect_dma semaphore(%arg8 : memref<!tpu.dma_semaphore, #tpu.memory_space<semaphore_mem>>) src(%dma_wait3A_37 : memref<17825792xi32, #tpu.memory_space<hbm>>) dst(%dma_wait3A_32 : memref<128xi32, #tpu.memory_space<vmem>>)
    }
    %scan3A_29 = arith.constant 128 : i32
    "tpu.region"() ({
      %run_scoped3A = tpu.sem_alloc : memref<!tpu.dma_semaphore, #tpu.memory_space<semaphore_mem>>
      %dma_start3A = arith.constant 0 : i32
      %dma_start3A_30 = tpu.memref_slice %arg4[%add3A_17, %dma_start3A] : memref<8192x128xi32, #tpu.memory_space<hbm>> -> memref<128x128xi32, #tpu.memory_space<hbm>>
      %dma_start3A_31 = arith.constant 0 : i32
      %dma_start3A_32 = tpu.memref_slice %arg4[%add3A_17, %dma_start3A_31] : memref<8192x128xi32, #tpu.memory_space<hbm>> -> memref<128x128xi32, #tpu.memory_space<hbm>>
      tpu.enqueue_dma source(%arg7 : memref<128x128xi32, #tpu.memory_space<vmem>>) target(%dma_start3A_32 : memref<128x128xi32, #tpu.memory_space<hbm>>) target_semaphore(%run_scoped3A : memref<!tpu.dma_semaphore, #tpu.memory_space<semaphore_mem>>)
      %dma_wait3A = arith.constant 0 : i32
      %dma_wait3A_33 = tpu.memref_slice %arg4[%add3A_17, %dma_wait3A] : memref<8192x128xi32, #tpu.memory_space<hbm>> -> memref<128x128xi32, #tpu.memory_space<hbm>>
      %dma_wait3A_34 = arith.constant 0 : i32
      %dma_wait3A_35 = tpu.memref_slice %arg4[%add3A_17, %dma_wait3A_34] : memref<8192x128xi32, #tpu.memory_space<hbm>> -> memref<128x128xi32, #tpu.memory_space<hbm>>
      tpu.wait_dma2 semaphore(%run_scoped3A : memref<!tpu.dma_semaphore, #tpu.memory_space<semaphore_mem>>) src(%arg7 : memref<128x128xi32, #tpu.memory_space<vmem>>) dst(%dma_wait3A_35 : memref<128x128xi32, #tpu.memory_space<hbm>>)
      tpu.yield
    }) : () -> ()
    return
  }
}

#map = affine_map<(d0, d1) -> (0, 0)>
#map1 = affine_map<(d0, d1) -> (0)>
module attributes {stable_mosaic.version = 14 : i64} {
  func.func @new_body(%arg0: i32, %arg1: i32, %arg2: memref<8192x128xi32, #tpu.memory_space<hbm>>, %arg3: memref<8192x128xi32, #tpu.memory_space<hbm>>, %arg4: memref<17825792xi32, #tpu.memory_space<hbm>>, %arg5: memref<17825792xi32, #tpu.memory_space<hbm>>, %arg6: memref<128x128xi32, #tpu.memory_space<vmem>>, %arg7: memref<128x128xi32, #tpu.memory_space<vmem>>, %arg8: memref<!tpu.dma_semaphore, #tpu.memory_space<semaphore_mem>>) attributes {dimension_semantics = [#tpu.dimension_semantics<core_parallel>, #tpu.dimension_semantics<subcore_parallel>], iteration_bounds = array<i64: 2, 16>, scalar_prefetch = 0 : i64, scratch_operands = 3 : i64, tpu.core_type = #tpu.core_type<sc_vector_subcore>, window_params = [{transform_indices = #map}, {transform_indices = #map}, {transform_indices = #map1}, {transform_indices = #map1}]} {
    %mul3A = arith.constant 2 : i32
    %mul3A_0 = arith.muli %arg1, %mul3A : i32
    %add3A = arith.addi %mul3A_0, %arg0 : i32
    %mul3A_1 = arith.constant 256 : i32
    %mul3A_2 = arith.muli %add3A, %mul3A_1 : i32
    %add3A_3 = arith.constant 0 : i32
    %add3A_4 = arith.addi %mul3A_2, %add3A_3 : i32
    "tpu.region"() ({
      %run_scoped3A = tpu.sem_alloc : memref<!tpu.dma_semaphore, #tpu.memory_space<semaphore_mem>>
      %dma_start3A = arith.constant 0 : i32
      %dma_start3A_30 = tpu.memref_slice %arg2[%add3A_4, %dma_start3A] : memref<8192x128xi32, #tpu.memory_space<hbm>> -> memref<128x128xi32, #tpu.memory_space<hbm>>
      %dma_start3A_31 = arith.constant 0 : i32
      %dma_start3A_32 = tpu.memref_slice %arg2[%add3A_4, %dma_start3A_31] : memref<8192x128xi32, #tpu.memory_space<hbm>> -> memref<128x128xi32, #tpu.memory_space<hbm>>
      tpu.enqueue_dma source(%dma_start3A_32 : memref<128x128xi32, #tpu.memory_space<hbm>>) target(%arg6 : memref<128x128xi32, #tpu.memory_space<vmem>>) target_semaphore(%run_scoped3A : memref<!tpu.dma_semaphore, #tpu.memory_space<semaphore_mem>>)
      %dma_wait3A = arith.constant 0 : i32
      %dma_wait3A_33 = tpu.memref_slice %arg2[%add3A_4, %dma_wait3A] : memref<8192x128xi32, #tpu.memory_space<hbm>> -> memref<128x128xi32, #tpu.memory_space<hbm>>
      %dma_wait3A_34 = arith.constant 0 : i32
      %dma_wait3A_35 = tpu.memref_slice %arg2[%add3A_4, %dma_wait3A_34] : memref<8192x128xi32, #tpu.memory_space<hbm>> -> memref<128x128xi32, #tpu.memory_space<hbm>>
      tpu.wait_dma2 semaphore(%run_scoped3A : memref<!tpu.dma_semaphore, #tpu.memory_space<semaphore_mem>>) src(%dma_wait3A_35 : memref<128x128xi32, #tpu.memory_space<hbm>>) dst(%arg6 : memref<128x128xi32, #tpu.memory_space<vmem>>)
      tpu.yield
    }) : () -> ()
    "tpu.region"() ({
      %run_scoped3A = tpu.sem_alloc : memref<!tpu.dma_semaphore, #tpu.memory_space<semaphore_mem>>
      %dma_start3A = arith.constant 0 : i32
      %dma_start3A_30 = tpu.memref_slice %arg3[%add3A_4, %dma_start3A] : memref<8192x128xi32, #tpu.memory_space<hbm>> -> memref<128x128xi32, #tpu.memory_space<hbm>>
      %dma_start3A_31 = arith.constant 0 : i32
      %dma_start3A_32 = tpu.memref_slice %arg3[%add3A_4, %dma_start3A_31] : memref<8192x128xi32, #tpu.memory_space<hbm>> -> memref<128x128xi32, #tpu.memory_space<hbm>>
      tpu.enqueue_dma source(%dma_start3A_32 : memref<128x128xi32, #tpu.memory_space<hbm>>) target(%arg7 : memref<128x128xi32, #tpu.memory_space<vmem>>) target_semaphore(%run_scoped3A : memref<!tpu.dma_semaphore, #tpu.memory_space<semaphore_mem>>)
      %dma_wait3A = arith.constant 0 : i32
      %dma_wait3A_33 = tpu.memref_slice %arg3[%add3A_4, %dma_wait3A] : memref<8192x128xi32, #tpu.memory_space<hbm>> -> memref<128x128xi32, #tpu.memory_space<hbm>>
      %dma_wait3A_34 = arith.constant 0 : i32
      %dma_wait3A_35 = tpu.memref_slice %arg3[%add3A_4, %dma_wait3A_34] : memref<8192x128xi32, #tpu.memory_space<hbm>> -> memref<128x128xi32, #tpu.memory_space<hbm>>
      tpu.wait_dma2 semaphore(%run_scoped3A : memref<!tpu.dma_semaphore, #tpu.memory_space<semaphore_mem>>) src(%dma_wait3A_35 : memref<128x128xi32, #tpu.memory_space<hbm>>) dst(%arg7 : memref<128x128xi32, #tpu.memory_space<vmem>>)
      tpu.yield
    }) : () -> ()
    %scan3A = arith.constant 0 : i32
    %scan3A_5 = arith.constant 0 : i32
    %scan3A_6 = arith.constant 128 : i32
    %scan3A_7 = arith.addi %scan3A_5, %scan3A_6 : i32
    %scan3A_8 = arith.constant 1 : i32
    scf.for %scan3A_30 = %scan3A_5 to %scan3A_7 step %scan3A_8  : i32 {
      %dma_start3A = arith.constant 0 : i32
      %dma_start3A_31 = tpu.memref_slice %arg7[%scan3A_30, %dma_start3A] : memref<128x128xi32, #tpu.memory_space<vmem>> -> memref<1x128xi32, #tpu.memory_space<vmem>>
      %dma_start3A_32 = tpu.memref_squeeze %dma_start3A_31 : memref<1x128xi32, #tpu.memory_space<vmem>> -> memref<128xi32, #tpu.memory_space<vmem>>
      %dma_start3A_33 = arith.constant 0 : i32
      %dma_start3A_34 = tpu.memref_slice %arg6[%scan3A_30, %dma_start3A_33] : memref<128x128xi32, #tpu.memory_space<vmem>> -> memref<1x128xi32, #tpu.memory_space<vmem>>
      %dma_start3A_35 = tpu.memref_squeeze %dma_start3A_34 : memref<1x128xi32, #tpu.memory_space<vmem>> -> memref<128xi32, #tpu.memory_space<vmem>>
      %dma_start3A_36 = arith.constant 0 : i32
      %dma_start3A_37 = tpu.memref_slice %arg4[%dma_start3A_36] : memref<17825792xi32, #tpu.memory_space<hbm>> -> memref<17825792xi32, #tpu.memory_space<hbm>>
      tpu.enqueue_indirect_dma source(%dma_start3A_32 : memref<128xi32, #tpu.memory_space<vmem>>) target(%dma_start3A_37 : memref<17825792xi32, #tpu.memory_space<hbm>>) offsets(%dma_start3A_35 : memref<128xi32, #tpu.memory_space<vmem>>) semaphore(%arg8 : memref<!tpu.dma_semaphore, #tpu.memory_space<semaphore_mem>>)
    }
    %scan3A_9 = arith.constant 128 : i32
    %scan3A_10 = arith.constant 0 : i32
    %scan3A_11 = arith.constant 0 : i32
    %scan3A_12 = arith.constant 128 : i32
    %scan3A_13 = arith.addi %scan3A_11, %scan3A_12 : i32
    %scan3A_14 = arith.constant 1 : i32
    scf.for %scan3A_30 = %scan3A_11 to %scan3A_13 step %scan3A_14  : i32 {
      %dma_wait3A = arith.constant 0 : i32
      %dma_wait3A_31 = tpu.memref_slice %arg7[%scan3A_30, %dma_wait3A] : memref<128x128xi32, #tpu.memory_space<vmem>> -> memref<1x128xi32, #tpu.memory_space<vmem>>
      %dma_wait3A_32 = tpu.memref_squeeze %dma_wait3A_31 : memref<1x128xi32, #tpu.memory_space<vmem>> -> memref<128xi32, #tpu.memory_space<vmem>>
      %dma_wait3A_33 = arith.constant 0 : i32
      %dma_wait3A_34 = tpu.memref_slice %arg6[%scan3A_30, %dma_wait3A_33] : memref<128x128xi32, #tpu.memory_space<vmem>> -> memref<1x128xi32, #tpu.memory_space<vmem>>
      %dma_wait3A_35 = tpu.memref_squeeze %dma_wait3A_34 : memref<1x128xi32, #tpu.memory_space<vmem>> -> memref<128xi32, #tpu.memory_space<vmem>>
      %dma_wait3A_36 = arith.constant 0 : i32
      %dma_wait3A_37 = tpu.memref_slice %arg4[%dma_wait3A_36] : memref<17825792xi32, #tpu.memory_space<hbm>> -> memref<17825792xi32, #tpu.memory_space<hbm>>
      tpu.wait_indirect_dma semaphore(%arg8 : memref<!tpu.dma_semaphore, #tpu.memory_space<semaphore_mem>>) src(%dma_wait3A_32 : memref<128xi32, #tpu.memory_space<vmem>>) dst(%dma_wait3A_37 : memref<17825792xi32, #tpu.memory_space<hbm>>)
    }
    %scan3A_15 = arith.constant 128 : i32
    %add3A_16 = arith.constant 128 : i32
    %add3A_17 = arith.addi %mul3A_2, %add3A_16 : i32
    "tpu.region"() ({
      %run_scoped3A = tpu.sem_alloc : memref<!tpu.dma_semaphore, #tpu.memory_space<semaphore_mem>>
      %dma_start3A = arith.constant 0 : i32
      %dma_start3A_30 = tpu.memref_slice %arg2[%add3A_17, %dma_start3A] : memref<8192x128xi32, #tpu.memory_space<hbm>> -> memref<128x128xi32, #tpu.memory_space<hbm>>
      %dma_start3A_31 = arith.constant 0 : i32
      %dma_start3A_32 = tpu.memref_slice %arg2[%add3A_17, %dma_start3A_31] : memref<8192x128xi32, #tpu.memory_space<hbm>> -> memref<128x128xi32, #tpu.memory_space<hbm>>
      tpu.enqueue_dma source(%dma_start3A_32 : memref<128x128xi32, #tpu.memory_space<hbm>>) target(%arg6 : memref<128x128xi32, #tpu.memory_space<vmem>>) target_semaphore(%run_scoped3A : memref<!tpu.dma_semaphore, #tpu.memory_space<semaphore_mem>>)
      %dma_wait3A = arith.constant 0 : i32
      %dma_wait3A_33 = tpu.memref_slice %arg2[%add3A_17, %dma_wait3A] : memref<8192x128xi32, #tpu.memory_space<hbm>> -> memref<128x128xi32, #tpu.memory_space<hbm>>
      %dma_wait3A_34 = arith.constant 0 : i32
      %dma_wait3A_35 = tpu.memref_slice %arg2[%add3A_17, %dma_wait3A_34] : memref<8192x128xi32, #tpu.memory_space<hbm>> -> memref<128x128xi32, #tpu.memory_space<hbm>>
      tpu.wait_dma2 semaphore(%run_scoped3A : memref<!tpu.dma_semaphore, #tpu.memory_space<semaphore_mem>>) src(%dma_wait3A_35 : memref<128x128xi32, #tpu.memory_space<hbm>>) dst(%arg6 : memref<128x128xi32, #tpu.memory_space<vmem>>)
      tpu.yield
    }) : () -> ()
    "tpu.region"() ({
      %run_scoped3A = tpu.sem_alloc : memref<!tpu.dma_semaphore, #tpu.memory_space<semaphore_mem>>
      %dma_start3A = arith.constant 0 : i32
      %dma_start3A_30 = tpu.memref_slice %arg3[%add3A_17, %dma_start3A] : memref<8192x128xi32, #tpu.memory_space<hbm>> -> memref<128x128xi32, #tpu.memory_space<hbm>>
      %dma_start3A_31 = arith.constant 0 : i32
      %dma_start3A_32 = tpu.memref_slice %arg3[%add3A_17, %dma_start3A_31] : memref<8192x128xi32, #tpu.memory_space<hbm>> -> memref<128x128xi32, #tpu.memory_space<hbm>>
      tpu.enqueue_dma source(%dma_start3A_32 : memref<128x128xi32, #tpu.memory_space<hbm>>) target(%arg7 : memref<128x128xi32, #tpu.memory_space<vmem>>) target_semaphore(%run_scoped3A : memref<!tpu.dma_semaphore, #tpu.memory_space<semaphore_mem>>)
      %dma_wait3A = arith.constant 0 : i32
      %dma_wait3A_33 = tpu.memref_slice %arg3[%add3A_17, %dma_wait3A] : memref<8192x128xi32, #tpu.memory_space<hbm>> -> memref<128x128xi32, #tpu.memory_space<hbm>>
      %dma_wait3A_34 = arith.constant 0 : i32
      %dma_wait3A_35 = tpu.memref_slice %arg3[%add3A_17, %dma_wait3A_34] : memref<8192x128xi32, #tpu.memory_space<hbm>> -> memref<128x128xi32, #tpu.memory_space<hbm>>
      tpu.wait_dma2 semaphore(%run_scoped3A : memref<!tpu.dma_semaphore, #tpu.memory_space<semaphore_mem>>) src(%dma_wait3A_35 : memref<128x128xi32, #tpu.memory_space<hbm>>) dst(%arg7 : memref<128x128xi32, #tpu.memory_space<vmem>>)
      tpu.yield
    }) : () -> ()
    %scan3A_18 = arith.constant 0 : i32
    %scan3A_19 = arith.constant 0 : i32
    %scan3A_20 = arith.constant 128 : i32
    %scan3A_21 = arith.addi %scan3A_19, %scan3A_20 : i32
    %scan3A_22 = arith.constant 1 : i32
    scf.for %scan3A_30 = %scan3A_19 to %scan3A_21 step %scan3A_22  : i32 {
      %dma_start3A = arith.constant 0 : i32
      %dma_start3A_31 = tpu.memref_slice %arg7[%scan3A_30, %dma_start3A] : memref<128x128xi32, #tpu.memory_space<vmem>> -> memref<1x128xi32, #tpu.memory_space<vmem>>
      %dma_start3A_32 = tpu.memref_squeeze %dma_start3A_31 : memref<1x128xi32, #tpu.memory_space<vmem>> -> memref<128xi32, #tpu.memory_space<vmem>>
      %dma_start3A_33 = arith.constant 0 : i32
      %dma_start3A_34 = tpu.memref_slice %arg6[%scan3A_30, %dma_start3A_33] : memref<128x128xi32, #tpu.memory_space<vmem>> -> memref<1x128xi32, #tpu.memory_space<vmem>>
      %dma_start3A_35 = tpu.memref_squeeze %dma_start3A_34 : memref<1x128xi32, #tpu.memory_space<vmem>> -> memref<128xi32, #tpu.memory_space<vmem>>
      %dma_start3A_36 = arith.constant 0 : i32
      %dma_start3A_37 = tpu.memref_slice %arg4[%dma_start3A_36] : memref<17825792xi32, #tpu.memory_space<hbm>> -> memref<17825792xi32, #tpu.memory_space<hbm>>
      tpu.enqueue_indirect_dma source(%dma_start3A_32 : memref<128xi32, #tpu.memory_space<vmem>>) target(%dma_start3A_37 : memref<17825792xi32, #tpu.memory_space<hbm>>) offsets(%dma_start3A_35 : memref<128xi32, #tpu.memory_space<vmem>>) semaphore(%arg8 : memref<!tpu.dma_semaphore, #tpu.memory_space<semaphore_mem>>)
    }
    %scan3A_23 = arith.constant 128 : i32
    %scan3A_24 = arith.constant 0 : i32
    %scan3A_25 = arith.constant 0 : i32
    %scan3A_26 = arith.constant 128 : i32
    %scan3A_27 = arith.addi %scan3A_25, %scan3A_26 : i32
    %scan3A_28 = arith.constant 1 : i32
    scf.for %scan3A_30 = %scan3A_25 to %scan3A_27 step %scan3A_28  : i32 {
      %dma_wait3A = arith.constant 0 : i32
      %dma_wait3A_31 = tpu.memref_slice %arg7[%scan3A_30, %dma_wait3A] : memref<128x128xi32, #tpu.memory_space<vmem>> -> memref<1x128xi32, #tpu.memory_space<vmem>>
      %dma_wait3A_32 = tpu.memref_squeeze %dma_wait3A_31 : memref<1x128xi32, #tpu.memory_space<vmem>> -> memref<128xi32, #tpu.memory_space<vmem>>
      %dma_wait3A_33 = arith.constant 0 : i32
      %dma_wait3A_34 = tpu.memref_slice %arg6[%scan3A_30, %dma_wait3A_33] : memref<128x128xi32, #tpu.memory_space<vmem>> -> memref<1x128xi32, #tpu.memory_space<vmem>>
      %dma_wait3A_35 = tpu.memref_squeeze %dma_wait3A_34 : memref<1x128xi32, #tpu.memory_space<vmem>> -> memref<128xi32, #tpu.memory_space<vmem>>
      %dma_wait3A_36 = arith.constant 0 : i32
      %dma_wait3A_37 = tpu.memref_slice %arg4[%dma_wait3A_36] : memref<17825792xi32, #tpu.memory_space<hbm>> -> memref<17825792xi32, #tpu.memory_space<hbm>>
      tpu.wait_indirect_dma semaphore(%arg8 : memref<!tpu.dma_semaphore, #tpu.memory_space<semaphore_mem>>) src(%dma_wait3A_32 : memref<128xi32, #tpu.memory_space<vmem>>) dst(%dma_wait3A_37 : memref<17825792xi32, #tpu.memory_space<hbm>>)
    }
    %scan3A_29 = arith.constant 128 : i32
    return
  }
}

#map = affine_map<(d0, d1) -> (0, 0)>
#map1 = affine_map<(d0, d1) -> (0)>
module attributes {stable_mosaic.version = 14 : i64} {
  func.func @new_body(%arg0: i32, %arg1: i32, %arg2: memref<8192x128xi32, #tpu.memory_space<hbm>>, %arg3: memref<8192x128xi32, #tpu.memory_space<hbm>>, %arg4: memref<17825792xi32, #tpu.memory_space<hbm>>, %arg5: memref<17825792xi32, #tpu.memory_space<hbm>>, %arg6: memref<128x128xi32, #tpu.memory_space<vmem>>, %arg7: memref<128x128xi32, #tpu.memory_space<vmem>>, %arg8: memref<!tpu.dma_semaphore, #tpu.memory_space<semaphore_mem>>) attributes {dimension_semantics = [#tpu.dimension_semantics<core_parallel>, #tpu.dimension_semantics<subcore_parallel>], iteration_bounds = array<i64: 2, 16>, scalar_prefetch = 0 : i64, scratch_operands = 3 : i64, tpu.core_type = #tpu.core_type<sc_vector_subcore>, window_params = [{transform_indices = #map}, {transform_indices = #map}, {transform_indices = #map1}, {transform_indices = #map1}]} {
    %mul3A = arith.constant 2 : i32
    %mul3A_0 = arith.muli %arg1, %mul3A : i32
    %add3A = arith.addi %mul3A_0, %arg0 : i32
    %mul3A_1 = arith.constant 256 : i32
    %mul3A_2 = arith.muli %add3A, %mul3A_1 : i32
    %add3A_3 = arith.constant 0 : i32
    %add3A_4 = arith.addi %mul3A_2, %add3A_3 : i32
    "tpu.region"() ({
      %run_scoped3A = tpu.sem_alloc : memref<!tpu.dma_semaphore, #tpu.memory_space<semaphore_mem>>
      %dma_start3A = arith.constant 0 : i32
      %dma_start3A_30 = tpu.memref_slice %arg3[%add3A_4, %dma_start3A] : memref<8192x128xi32, #tpu.memory_space<hbm>> -> memref<128x128xi32, #tpu.memory_space<hbm>>
      %dma_start3A_31 = arith.constant 0 : i32
      %dma_start3A_32 = tpu.memref_slice %arg3[%add3A_4, %dma_start3A_31] : memref<8192x128xi32, #tpu.memory_space<hbm>> -> memref<128x128xi32, #tpu.memory_space<hbm>>
      tpu.enqueue_dma source(%dma_start3A_32 : memref<128x128xi32, #tpu.memory_space<hbm>>) target(%arg6 : memref<128x128xi32, #tpu.memory_space<vmem>>) target_semaphore(%run_scoped3A : memref<!tpu.dma_semaphore, #tpu.memory_space<semaphore_mem>>)
      %dma_wait3A = arith.constant 0 : i32
      %dma_wait3A_33 = tpu.memref_slice %arg3[%add3A_4, %dma_wait3A] : memref<8192x128xi32, #tpu.memory_space<hbm>> -> memref<128x128xi32, #tpu.memory_space<hbm>>
      %dma_wait3A_34 = arith.constant 0 : i32
      %dma_wait3A_35 = tpu.memref_slice %arg3[%add3A_4, %dma_wait3A_34] : memref<8192x128xi32, #tpu.memory_space<hbm>> -> memref<128x128xi32, #tpu.memory_space<hbm>>
      tpu.wait_dma2 semaphore(%run_scoped3A : memref<!tpu.dma_semaphore, #tpu.memory_space<semaphore_mem>>) src(%dma_wait3A_35 : memref<128x128xi32, #tpu.memory_space<hbm>>) dst(%arg6 : memref<128x128xi32, #tpu.memory_space<vmem>>)
      tpu.yield
    }) : () -> ()
    "tpu.region"() ({
      %run_scoped3A = tpu.sem_alloc : memref<!tpu.dma_semaphore, #tpu.memory_space<semaphore_mem>>
      %dma_start3A = arith.constant 0 : i32
      %dma_start3A_30 = tpu.memref_slice %arg2[%add3A_4, %dma_start3A] : memref<8192x128xi32, #tpu.memory_space<hbm>> -> memref<128x128xi32, #tpu.memory_space<hbm>>
      %dma_start3A_31 = arith.constant 0 : i32
      %dma_start3A_32 = tpu.memref_slice %arg2[%add3A_4, %dma_start3A_31] : memref<8192x128xi32, #tpu.memory_space<hbm>> -> memref<128x128xi32, #tpu.memory_space<hbm>>
      tpu.enqueue_dma source(%dma_start3A_32 : memref<128x128xi32, #tpu.memory_space<hbm>>) target(%arg7 : memref<128x128xi32, #tpu.memory_space<vmem>>) target_semaphore(%run_scoped3A : memref<!tpu.dma_semaphore, #tpu.memory_space<semaphore_mem>>)
      %dma_wait3A = arith.constant 0 : i32
      %dma_wait3A_33 = tpu.memref_slice %arg2[%add3A_4, %dma_wait3A] : memref<8192x128xi32, #tpu.memory_space<hbm>> -> memref<128x128xi32, #tpu.memory_space<hbm>>
      %dma_wait3A_34 = arith.constant 0 : i32
      %dma_wait3A_35 = tpu.memref_slice %arg2[%add3A_4, %dma_wait3A_34] : memref<8192x128xi32, #tpu.memory_space<hbm>> -> memref<128x128xi32, #tpu.memory_space<hbm>>
      tpu.wait_dma2 semaphore(%run_scoped3A : memref<!tpu.dma_semaphore, #tpu.memory_space<semaphore_mem>>) src(%dma_wait3A_35 : memref<128x128xi32, #tpu.memory_space<hbm>>) dst(%arg7 : memref<128x128xi32, #tpu.memory_space<vmem>>)
      tpu.yield
    }) : () -> ()
    %scan3A = arith.constant 0 : i32
    %scan3A_5 = arith.constant 0 : i32
    %scan3A_6 = arith.constant 128 : i32
    %scan3A_7 = arith.addi %scan3A_5, %scan3A_6 : i32
    %scan3A_8 = arith.constant 1 : i32
    scf.for %scan3A_30 = %scan3A_5 to %scan3A_7 step %scan3A_8  : i32 {
      %dma_start3A = arith.constant 0 : i32
      %dma_start3A_31 = tpu.memref_slice %arg6[%scan3A_30, %dma_start3A] : memref<128x128xi32, #tpu.memory_space<vmem>> -> memref<1x128xi32, #tpu.memory_space<vmem>>
      %dma_start3A_32 = tpu.memref_squeeze %dma_start3A_31 : memref<1x128xi32, #tpu.memory_space<vmem>> -> memref<128xi32, #tpu.memory_space<vmem>>
      %dma_start3A_33 = arith.constant 0 : i32
      %dma_start3A_34 = tpu.memref_slice %arg7[%scan3A_30, %dma_start3A_33] : memref<128x128xi32, #tpu.memory_space<vmem>> -> memref<1x128xi32, #tpu.memory_space<vmem>>
      %dma_start3A_35 = tpu.memref_squeeze %dma_start3A_34 : memref<1x128xi32, #tpu.memory_space<vmem>> -> memref<128xi32, #tpu.memory_space<vmem>>
      %dma_start3A_36 = arith.constant 0 : i32
      %dma_start3A_37 = tpu.memref_slice %arg4[%dma_start3A_36] : memref<17825792xi32, #tpu.memory_space<hbm>> -> memref<17825792xi32, #tpu.memory_space<hbm>>
      tpu.enqueue_indirect_dma source(%dma_start3A_32 : memref<128xi32, #tpu.memory_space<vmem>>) target(%dma_start3A_37 : memref<17825792xi32, #tpu.memory_space<hbm>>) offsets(%dma_start3A_35 : memref<128xi32, #tpu.memory_space<vmem>>) semaphore(%arg8 : memref<!tpu.dma_semaphore, #tpu.memory_space<semaphore_mem>>)
    }
    %scan3A_9 = arith.constant 128 : i32
    %scan3A_10 = arith.constant 0 : i32
    %scan3A_11 = arith.constant 0 : i32
    %scan3A_12 = arith.constant 128 : i32
    %scan3A_13 = arith.addi %scan3A_11, %scan3A_12 : i32
    %scan3A_14 = arith.constant 1 : i32
    scf.for %scan3A_30 = %scan3A_11 to %scan3A_13 step %scan3A_14  : i32 {
      %dma_wait3A = arith.constant 0 : i32
      %dma_wait3A_31 = tpu.memref_slice %arg6[%scan3A_30, %dma_wait3A] : memref<128x128xi32, #tpu.memory_space<vmem>> -> memref<1x128xi32, #tpu.memory_space<vmem>>
      %dma_wait3A_32 = tpu.memref_squeeze %dma_wait3A_31 : memref<1x128xi32, #tpu.memory_space<vmem>> -> memref<128xi32, #tpu.memory_space<vmem>>
      %dma_wait3A_33 = arith.constant 0 : i32
      %dma_wait3A_34 = tpu.memref_slice %arg7[%scan3A_30, %dma_wait3A_33] : memref<128x128xi32, #tpu.memory_space<vmem>> -> memref<1x128xi32, #tpu.memory_space<vmem>>
      %dma_wait3A_35 = tpu.memref_squeeze %dma_wait3A_34 : memref<1x128xi32, #tpu.memory_space<vmem>> -> memref<128xi32, #tpu.memory_space<vmem>>
      %dma_wait3A_36 = arith.constant 0 : i32
      %dma_wait3A_37 = tpu.memref_slice %arg4[%dma_wait3A_36] : memref<17825792xi32, #tpu.memory_space<hbm>> -> memref<17825792xi32, #tpu.memory_space<hbm>>
      tpu.wait_indirect_dma semaphore(%arg8 : memref<!tpu.dma_semaphore, #tpu.memory_space<semaphore_mem>>) src(%dma_wait3A_32 : memref<128xi32, #tpu.memory_space<vmem>>) dst(%dma_wait3A_37 : memref<17825792xi32, #tpu.memory_space<hbm>>)
    }
    %scan3A_15 = arith.constant 128 : i32
    %add3A_16 = arith.constant 128 : i32
    %add3A_17 = arith.addi %mul3A_2, %add3A_16 : i32
    "tpu.region"() ({
      %run_scoped3A = tpu.sem_alloc : memref<!tpu.dma_semaphore, #tpu.memory_space<semaphore_mem>>
      %dma_start3A = arith.constant 0 : i32
      %dma_start3A_30 = tpu.memref_slice %arg3[%add3A_17, %dma_start3A] : memref<8192x128xi32, #tpu.memory_space<hbm>> -> memref<128x128xi32, #tpu.memory_space<hbm>>
      %dma_start3A_31 = arith.constant 0 : i32
      %dma_start3A_32 = tpu.memref_slice %arg3[%add3A_17, %dma_start3A_31] : memref<8192x128xi32, #tpu.memory_space<hbm>> -> memref<128x128xi32, #tpu.memory_space<hbm>>
      tpu.enqueue_dma source(%dma_start3A_32 : memref<128x128xi32, #tpu.memory_space<hbm>>) target(%arg6 : memref<128x128xi32, #tpu.memory_space<vmem>>) target_semaphore(%run_scoped3A : memref<!tpu.dma_semaphore, #tpu.memory_space<semaphore_mem>>)
      %dma_wait3A = arith.constant 0 : i32
      %dma_wait3A_33 = tpu.memref_slice %arg3[%add3A_17, %dma_wait3A] : memref<8192x128xi32, #tpu.memory_space<hbm>> -> memref<128x128xi32, #tpu.memory_space<hbm>>
      %dma_wait3A_34 = arith.constant 0 : i32
      %dma_wait3A_35 = tpu.memref_slice %arg3[%add3A_17, %dma_wait3A_34] : memref<8192x128xi32, #tpu.memory_space<hbm>> -> memref<128x128xi32, #tpu.memory_space<hbm>>
      tpu.wait_dma2 semaphore(%run_scoped3A : memref<!tpu.dma_semaphore, #tpu.memory_space<semaphore_mem>>) src(%dma_wait3A_35 : memref<128x128xi32, #tpu.memory_space<hbm>>) dst(%arg6 : memref<128x128xi32, #tpu.memory_space<vmem>>)
      tpu.yield
    }) : () -> ()
    "tpu.region"() ({
      %run_scoped3A = tpu.sem_alloc : memref<!tpu.dma_semaphore, #tpu.memory_space<semaphore_mem>>
      %dma_start3A = arith.constant 0 : i32
      %dma_start3A_30 = tpu.memref_slice %arg2[%add3A_17, %dma_start3A] : memref<8192x128xi32, #tpu.memory_space<hbm>> -> memref<128x128xi32, #tpu.memory_space<hbm>>
      %dma_start3A_31 = arith.constant 0 : i32
      %dma_start3A_32 = tpu.memref_slice %arg2[%add3A_17, %dma_start3A_31] : memref<8192x128xi32, #tpu.memory_space<hbm>> -> memref<128x128xi32, #tpu.memory_space<hbm>>
      tpu.enqueue_dma source(%dma_start3A_32 : memref<128x128xi32, #tpu.memory_space<hbm>>) target(%arg7 : memref<128x128xi32, #tpu.memory_space<vmem>>) target_semaphore(%run_scoped3A : memref<!tpu.dma_semaphore, #tpu.memory_space<semaphore_mem>>)
      %dma_wait3A = arith.constant 0 : i32
      %dma_wait3A_33 = tpu.memref_slice %arg2[%add3A_17, %dma_wait3A] : memref<8192x128xi32, #tpu.memory_space<hbm>> -> memref<128x128xi32, #tpu.memory_space<hbm>>
      %dma_wait3A_34 = arith.constant 0 : i32
      %dma_wait3A_35 = tpu.memref_slice %arg2[%add3A_17, %dma_wait3A_34] : memref<8192x128xi32, #tpu.memory_space<hbm>> -> memref<128x128xi32, #tpu.memory_space<hbm>>
      tpu.wait_dma2 semaphore(%run_scoped3A : memref<!tpu.dma_semaphore, #tpu.memory_space<semaphore_mem>>) src(%dma_wait3A_35 : memref<128x128xi32, #tpu.memory_space<hbm>>) dst(%arg7 : memref<128x128xi32, #tpu.memory_space<vmem>>)
      tpu.yield
    }) : () -> ()
    %scan3A_18 = arith.constant 0 : i32
    %scan3A_19 = arith.constant 0 : i32
    %scan3A_20 = arith.constant 128 : i32
    %scan3A_21 = arith.addi %scan3A_19, %scan3A_20 : i32
    %scan3A_22 = arith.constant 1 : i32
    scf.for %scan3A_30 = %scan3A_19 to %scan3A_21 step %scan3A_22  : i32 {
      %dma_start3A = arith.constant 0 : i32
      %dma_start3A_31 = tpu.memref_slice %arg6[%scan3A_30, %dma_start3A] : memref<128x128xi32, #tpu.memory_space<vmem>> -> memref<1x128xi32, #tpu.memory_space<vmem>>
      %dma_start3A_32 = tpu.memref_squeeze %dma_start3A_31 : memref<1x128xi32, #tpu.memory_space<vmem>> -> memref<128xi32, #tpu.memory_space<vmem>>
      %dma_start3A_33 = arith.constant 0 : i32
      %dma_start3A_34 = tpu.memref_slice %arg7[%scan3A_30, %dma_start3A_33] : memref<128x128xi32, #tpu.memory_space<vmem>> -> memref<1x128xi32, #tpu.memory_space<vmem>>
      %dma_start3A_35 = tpu.memref_squeeze %dma_start3A_34 : memref<1x128xi32, #tpu.memory_space<vmem>> -> memref<128xi32, #tpu.memory_space<vmem>>
      %dma_start3A_36 = arith.constant 0 : i32
      %dma_start3A_37 = tpu.memref_slice %arg4[%dma_start3A_36] : memref<17825792xi32, #tpu.memory_space<hbm>> -> memref<17825792xi32, #tpu.memory_space<hbm>>
      tpu.enqueue_indirect_dma source(%dma_start3A_32 : memref<128xi32, #tpu.memory_space<vmem>>) target(%dma_start3A_37 : memref<17825792xi32, #tpu.memory_space<hbm>>) offsets(%dma_start3A_35 : memref<128xi32, #tpu.memory_space<vmem>>) semaphore(%arg8 : memref<!tpu.dma_semaphore, #tpu.memory_space<semaphore_mem>>)
    }
    %scan3A_23 = arith.constant 128 : i32
    %scan3A_24 = arith.constant 0 : i32
    %scan3A_25 = arith.constant 0 : i32
    %scan3A_26 = arith.constant 128 : i32
    %scan3A_27 = arith.addi %scan3A_25, %scan3A_26 : i32
    %scan3A_28 = arith.constant 1 : i32
    scf.for %scan3A_30 = %scan3A_25 to %scan3A_27 step %scan3A_28  : i32 {
      %dma_wait3A = arith.constant 0 : i32
      %dma_wait3A_31 = tpu.memref_slice %arg6[%scan3A_30, %dma_wait3A] : memref<128x128xi32, #tpu.memory_space<vmem>> -> memref<1x128xi32, #tpu.memory_space<vmem>>
      %dma_wait3A_32 = tpu.memref_squeeze %dma_wait3A_31 : memref<1x128xi32, #tpu.memory_space<vmem>> -> memref<128xi32, #tpu.memory_space<vmem>>
      %dma_wait3A_33 = arith.constant 0 : i32
      %dma_wait3A_34 = tpu.memref_slice %arg7[%scan3A_30, %dma_wait3A_33] : memref<128x128xi32, #tpu.memory_space<vmem>> -> memref<1x128xi32, #tpu.memory_space<vmem>>
      %dma_wait3A_35 = tpu.memref_squeeze %dma_wait3A_34 : memref<1x128xi32, #tpu.memory_space<vmem>> -> memref<128xi32, #tpu.memory_space<vmem>>
      %dma_wait3A_36 = arith.constant 0 : i32
      %dma_wait3A_37 = tpu.memref_slice %arg4[%dma_wait3A_36] : memref<17825792xi32, #tpu.memory_space<hbm>> -> memref<17825792xi32, #tpu.memory_space<hbm>>
      tpu.wait_indirect_dma semaphore(%arg8 : memref<!tpu.dma_semaphore, #tpu.memory_space<semaphore_mem>>) src(%dma_wait3A_32 : memref<128xi32, #tpu.memory_space<vmem>>) dst(%dma_wait3A_37 : memref<17825792xi32, #tpu.memory_space<hbm>>)
    }
    %scan3A_29 = arith.constant 128 : i32
    return
  }
}

#map = affine_map<(d0, d1) -> (0, 0)>
#map1 = affine_map<(d0, d1) -> (0)>
module attributes {stable_mosaic.version = 14 : i64} {
  func.func @new_body(%arg0: i32, %arg1: i32, %arg2: memref<8192x128xi32, #tpu.memory_space<hbm>>, %arg3: memref<1048576xf32, #tpu.memory_space<hbm>>, %arg4: memref<17825792xi32, #tpu.memory_space<hbm>>, %arg5: memref<16777216xf32, #tpu.memory_space<hbm>>, %arg6: memref<17825792xi32, #tpu.memory_space<hbm>>, %arg7: memref<16777216xf32, #tpu.memory_space<hbm>>, %arg8: memref<128x128xi32, #tpu.memory_space<vmem>>, %arg9: memref<128x128xi32, #tpu.memory_space<vmem>>, %arg10: memref<128x128xf32, #tpu.memory_space<vmem>>, %arg11: memref<!tpu.dma_semaphore, #tpu.memory_space<semaphore_mem>>) attributes {dimension_semantics = [#tpu.dimension_semantics<core_parallel>, #tpu.dimension_semantics<subcore_parallel>], iteration_bounds = array<i64: 2, 16>, scalar_prefetch = 0 : i64, scratch_operands = 4 : i64, tpu.core_type = #tpu.core_type<sc_vector_subcore>, window_params = [{transform_indices = #map}, {transform_indices = #map1}, {transform_indices = #map1}, {transform_indices = #map1}, {transform_indices = #map1}, {transform_indices = #map1}]} {
    %mul3A = arith.constant 2 : i32
    %mul3A_0 = arith.muli %arg1, %mul3A : i32
    %add3A = arith.addi %mul3A_0, %arg0 : i32
    %mul3A_1 = arith.constant 256 : i32
    %mul3A_2 = arith.muli %add3A, %mul3A_1 : i32
    %add3A_3 = arith.constant 0 : i32
    %add3A_4 = arith.addi %mul3A_2, %add3A_3 : i32
    "tpu.region"() ({
      %run_scoped3A = tpu.sem_alloc : memref<!tpu.dma_semaphore, #tpu.memory_space<semaphore_mem>>
      %dma_start3A = arith.constant 0 : i32
      %dma_start3A_78 = tpu.memref_slice %arg2[%add3A_4, %dma_start3A] : memref<8192x128xi32, #tpu.memory_space<hbm>> -> memref<128x128xi32, #tpu.memory_space<hbm>>
      %dma_start3A_79 = arith.constant 0 : i32
      %dma_start3A_80 = tpu.memref_slice %arg2[%add3A_4, %dma_start3A_79] : memref<8192x128xi32, #tpu.memory_space<hbm>> -> memref<128x128xi32, #tpu.memory_space<hbm>>
      tpu.enqueue_dma source(%dma_start3A_80 : memref<128x128xi32, #tpu.memory_space<hbm>>) target(%arg8 : memref<128x128xi32, #tpu.memory_space<vmem>>) target_semaphore(%run_scoped3A : memref<!tpu.dma_semaphore, #tpu.memory_space<semaphore_mem>>)
      %dma_wait3A = arith.constant 0 : i32
      %dma_wait3A_81 = tpu.memref_slice %arg2[%add3A_4, %dma_wait3A] : memref<8192x128xi32, #tpu.memory_space<hbm>> -> memref<128x128xi32, #tpu.memory_space<hbm>>
      %dma_wait3A_82 = arith.constant 0 : i32
      %dma_wait3A_83 = tpu.memref_slice %arg2[%add3A_4, %dma_wait3A_82] : memref<8192x128xi32, #tpu.memory_space<hbm>> -> memref<128x128xi32, #tpu.memory_space<hbm>>
      tpu.wait_dma2 semaphore(%run_scoped3A : memref<!tpu.dma_semaphore, #tpu.memory_space<semaphore_mem>>) src(%dma_wait3A_83 : memref<128x128xi32, #tpu.memory_space<hbm>>) dst(%arg8 : memref<128x128xi32, #tpu.memory_space<vmem>>)
      tpu.yield
    }) : () -> ()
    %scan3A = arith.constant 0 : i32
    %scan3A_5 = arith.constant 0 : i32
    %scan3A_6 = arith.constant 128 : i32
    %scan3A_7 = arith.addi %scan3A_5, %scan3A_6 : i32
    %scan3A_8 = arith.constant 1 : i32
    scf.for %scan3A_78 = %scan3A_5 to %scan3A_7 step %scan3A_8  : i32 {
      %dma_start3A = arith.constant 0 : i32
      %dma_start3A_79 = tpu.memref_slice %arg9[%scan3A_78, %dma_start3A] : memref<128x128xi32, #tpu.memory_space<vmem>> -> memref<1x128xi32, #tpu.memory_space<vmem>>
      %dma_start3A_80 = tpu.memref_squeeze %dma_start3A_79 : memref<1x128xi32, #tpu.memory_space<vmem>> -> memref<128xi32, #tpu.memory_space<vmem>>
      %dma_start3A_81 = arith.constant 0 : i32
      %dma_start3A_82 = tpu.memref_slice %arg8[%scan3A_78, %dma_start3A_81] : memref<128x128xi32, #tpu.memory_space<vmem>> -> memref<1x128xi32, #tpu.memory_space<vmem>>
      %dma_start3A_83 = tpu.memref_squeeze %dma_start3A_82 : memref<1x128xi32, #tpu.memory_space<vmem>> -> memref<128xi32, #tpu.memory_space<vmem>>
      %dma_start3A_84 = arith.constant 0 : i32
      %dma_start3A_85 = tpu.memref_slice %arg4[%dma_start3A_84] : memref<17825792xi32, #tpu.memory_space<hbm>> -> memref<17825792xi32, #tpu.memory_space<hbm>>
      tpu.enqueue_indirect_dma source(%dma_start3A_85 : memref<17825792xi32, #tpu.memory_space<hbm>>) target(%dma_start3A_80 : memref<128xi32, #tpu.memory_space<vmem>>) offsets(%dma_start3A_83 : memref<128xi32, #tpu.memory_space<vmem>>) semaphore(%arg11 : memref<!tpu.dma_semaphore, #tpu.memory_space<semaphore_mem>>)
    }
    %scan3A_9 = arith.constant 128 : i32
    %scan3A_10 = arith.constant 0 : i32
    %scan3A_11 = arith.constant 0 : i32
    %scan3A_12 = arith.constant 128 : i32
    %scan3A_13 = arith.addi %scan3A_11, %scan3A_12 : i32
    %scan3A_14 = arith.constant 1 : i32
    scf.for %scan3A_78 = %scan3A_11 to %scan3A_13 step %scan3A_14  : i32 {
      %dma_wait3A = arith.constant 0 : i32
      %dma_wait3A_79 = tpu.memref_slice %arg9[%scan3A_78, %dma_wait3A] : memref<128x128xi32, #tpu.memory_space<vmem>> -> memref<1x128xi32, #tpu.memory_space<vmem>>
      %dma_wait3A_80 = tpu.memref_squeeze %dma_wait3A_79 : memref<1x128xi32, #tpu.memory_space<vmem>> -> memref<128xi32, #tpu.memory_space<vmem>>
      %dma_wait3A_81 = arith.constant 0 : i32
      %dma_wait3A_82 = tpu.memref_slice %arg8[%scan3A_78, %dma_wait3A_81] : memref<128x128xi32, #tpu.memory_space<vmem>> -> memref<1x128xi32, #tpu.memory_space<vmem>>
      %dma_wait3A_83 = tpu.memref_squeeze %dma_wait3A_82 : memref<1x128xi32, #tpu.memory_space<vmem>> -> memref<128xi32, #tpu.memory_space<vmem>>
      %dma_wait3A_84 = arith.constant 0 : i32
      %dma_wait3A_85 = tpu.memref_slice %arg4[%dma_wait3A_84] : memref<17825792xi32, #tpu.memory_space<hbm>> -> memref<17825792xi32, #tpu.memory_space<hbm>>
      tpu.wait_indirect_dma semaphore(%arg11 : memref<!tpu.dma_semaphore, #tpu.memory_space<semaphore_mem>>) src(%dma_wait3A_85 : memref<17825792xi32, #tpu.memory_space<hbm>>) dst(%dma_wait3A_80 : memref<128xi32, #tpu.memory_space<vmem>>)
    }
    %scan3A_15 = arith.constant 128 : i32
    %scan3A_16 = arith.constant 0 : i32
    %scan3A_17 = arith.constant 0 : i32
    %scan3A_18 = arith.constant 128 : i32
    %scan3A_19 = arith.addi %scan3A_17, %scan3A_18 : i32
    %scan3A_20 = arith.constant 1 : i32
    scf.for %scan3A_78 = %scan3A_17 to %scan3A_19 step %scan3A_20  : i32 {
      %dma_start3A = arith.constant 0 : i32
      %dma_start3A_79 = tpu.memref_slice %arg10[%scan3A_78, %dma_start3A] : memref<128x128xf32, #tpu.memory_space<vmem>> -> memref<1x128xf32, #tpu.memory_space<vmem>>
      %dma_start3A_80 = tpu.memref_squeeze %dma_start3A_79 : memref<1x128xf32, #tpu.memory_space<vmem>> -> memref<128xf32, #tpu.memory_space<vmem>>
      %dma_start3A_81 = arith.constant 0 : i32
      %dma_start3A_82 = tpu.memref_slice %arg9[%scan3A_78, %dma_start3A_81] : memref<128x128xi32, #tpu.memory_space<vmem>> -> memref<1x128xi32, #tpu.memory_space<vmem>>
      %dma_start3A_83 = tpu.memref_squeeze %dma_start3A_82 : memref<1x128xi32, #tpu.memory_space<vmem>> -> memref<128xi32, #tpu.memory_space<vmem>>
      %dma_start3A_84 = arith.constant 0 : i32
      %dma_start3A_85 = tpu.memref_slice %arg3[%dma_start3A_84] : memref<1048576xf32, #tpu.memory_space<hbm>> -> memref<1048576xf32, #tpu.memory_space<hbm>>
      tpu.enqueue_indirect_dma source(%dma_start3A_85 : memref<1048576xf32, #tpu.memory_space<hbm>>) target(%dma_start3A_80 : memref<128xf32, #tpu.memory_space<vmem>>) offsets(%dma_start3A_83 : memref<128xi32, #tpu.memory_space<vmem>>) semaphore(%arg11 : memref<!tpu.dma_semaphore, #tpu.memory_space<semaphore_mem>>)
    }
    %scan3A_21 = arith.constant 128 : i32
    %scan3A_22 = arith.constant 0 : i32
    %scan3A_23 = arith.constant 0 : i32
    %scan3A_24 = arith.constant 128 : i32
    %scan3A_25 = arith.addi %scan3A_23, %scan3A_24 : i32
    %scan3A_26 = arith.constant 1 : i32
    scf.for %scan3A_78 = %scan3A_23 to %scan3A_25 step %scan3A_26  : i32 {
      %dma_wait3A = arith.constant 0 : i32
      %dma_wait3A_79 = tpu.memref_slice %arg10[%scan3A_78, %dma_wait3A] : memref<128x128xf32, #tpu.memory_space<vmem>> -> memref<1x128xf32, #tpu.memory_space<vmem>>
      %dma_wait3A_80 = tpu.memref_squeeze %dma_wait3A_79 : memref<1x128xf32, #tpu.memory_space<vmem>> -> memref<128xf32, #tpu.memory_space<vmem>>
      %dma_wait3A_81 = arith.constant 0 : i32
      %dma_wait3A_82 = tpu.memref_slice %arg9[%scan3A_78, %dma_wait3A_81] : memref<128x128xi32, #tpu.memory_space<vmem>> -> memref<1x128xi32, #tpu.memory_space<vmem>>
      %dma_wait3A_83 = tpu.memref_squeeze %dma_wait3A_82 : memref<1x128xi32, #tpu.memory_space<vmem>> -> memref<128xi32, #tpu.memory_space<vmem>>
      %dma_wait3A_84 = arith.constant 0 : i32
      %dma_wait3A_85 = tpu.memref_slice %arg3[%dma_wait3A_84] : memref<1048576xf32, #tpu.memory_space<hbm>> -> memref<1048576xf32, #tpu.memory_space<hbm>>
      tpu.wait_indirect_dma semaphore(%arg11 : memref<!tpu.dma_semaphore, #tpu.memory_space<semaphore_mem>>) src(%dma_wait3A_85 : memref<1048576xf32, #tpu.memory_space<hbm>>) dst(%dma_wait3A_80 : memref<128xf32, #tpu.memory_space<vmem>>)
    }
    %scan3A_27 = arith.constant 128 : i32
    %scan3A_28 = arith.constant 0 : i32
    %scan3A_29 = arith.constant 0 : i32
    %scan3A_30 = arith.constant 128 : i32
    %scan3A_31 = arith.addi %scan3A_29, %scan3A_30 : i32
    %scan3A_32 = arith.constant 1 : i32
    scf.for %scan3A_78 = %scan3A_29 to %scan3A_31 step %scan3A_32  : i32 {
      %dma_start3A = arith.constant 0 : i32
      %dma_start3A_79 = tpu.memref_slice %arg10[%scan3A_78, %dma_start3A] : memref<128x128xf32, #tpu.memory_space<vmem>> -> memref<1x128xf32, #tpu.memory_space<vmem>>
      %dma_start3A_80 = tpu.memref_squeeze %dma_start3A_79 : memref<1x128xf32, #tpu.memory_space<vmem>> -> memref<128xf32, #tpu.memory_space<vmem>>
      %dma_start3A_81 = arith.constant 0 : i32
      %dma_start3A_82 = tpu.memref_slice %arg8[%scan3A_78, %dma_start3A_81] : memref<128x128xi32, #tpu.memory_space<vmem>> -> memref<1x128xi32, #tpu.memory_space<vmem>>
      %dma_start3A_83 = tpu.memref_squeeze %dma_start3A_82 : memref<1x128xi32, #tpu.memory_space<vmem>> -> memref<128xi32, #tpu.memory_space<vmem>>
      %dma_start3A_84 = arith.constant 0 : i32
      %dma_start3A_85 = tpu.memref_slice %arg5[%dma_start3A_84] : memref<16777216xf32, #tpu.memory_space<hbm>> -> memref<16777216xf32, #tpu.memory_space<hbm>>
      tpu.enqueue_indirect_dma source(%dma_start3A_80 : memref<128xf32, #tpu.memory_space<vmem>>) target(%dma_start3A_85 : memref<16777216xf32, #tpu.memory_space<hbm>>) offsets(%dma_start3A_83 : memref<128xi32, #tpu.memory_space<vmem>>) semaphore(%arg11 : memref<!tpu.dma_semaphore, #tpu.memory_space<semaphore_mem>>)
    }
    %scan3A_33 = arith.constant 128 : i32
    %scan3A_34 = arith.constant 0 : i32
    %scan3A_35 = arith.constant 0 : i32
    %scan3A_36 = arith.constant 128 : i32
    %scan3A_37 = arith.addi %scan3A_35, %scan3A_36 : i32
    %scan3A_38 = arith.constant 1 : i32
    scf.for %scan3A_78 = %scan3A_35 to %scan3A_37 step %scan3A_38  : i32 {
      %dma_wait3A = arith.constant 0 : i32
      %dma_wait3A_79 = tpu.memref_slice %arg10[%scan3A_78, %dma_wait3A] : memref<128x128xf32, #tpu.memory_space<vmem>> -> memref<1x128xf32, #tpu.memory_space<vmem>>
      %dma_wait3A_80 = tpu.memref_squeeze %dma_wait3A_79 : memref<1x128xf32, #tpu.memory_space<vmem>> -> memref<128xf32, #tpu.memory_space<vmem>>
      %dma_wait3A_81 = arith.constant 0 : i32
      %dma_wait3A_82 = tpu.memref_slice %arg8[%scan3A_78, %dma_wait3A_81] : memref<128x128xi32, #tpu.memory_space<vmem>> -> memref<1x128xi32, #tpu.memory_space<vmem>>
      %dma_wait3A_83 = tpu.memref_squeeze %dma_wait3A_82 : memref<1x128xi32, #tpu.memory_space<vmem>> -> memref<128xi32, #tpu.memory_space<vmem>>
      %dma_wait3A_84 = arith.constant 0 : i32
      %dma_wait3A_85 = tpu.memref_slice %arg5[%dma_wait3A_84] : memref<16777216xf32, #tpu.memory_space<hbm>> -> memref<16777216xf32, #tpu.memory_space<hbm>>
      tpu.wait_indirect_dma semaphore(%arg11 : memref<!tpu.dma_semaphore, #tpu.memory_space<semaphore_mem>>) src(%dma_wait3A_80 : memref<128xf32, #tpu.memory_space<vmem>>) dst(%dma_wait3A_85 : memref<16777216xf32, #tpu.memory_space<hbm>>)
    }
    %scan3A_39 = arith.constant 128 : i32
    %add3A_40 = arith.constant 128 : i32
    %add3A_41 = arith.addi %mul3A_2, %add3A_40 : i32
    "tpu.region"() ({
      %run_scoped3A = tpu.sem_alloc : memref<!tpu.dma_semaphore, #tpu.memory_space<semaphore_mem>>
      %dma_start3A = arith.constant 0 : i32
      %dma_start3A_78 = tpu.memref_slice %arg2[%add3A_41, %dma_start3A] : memref<8192x128xi32, #tpu.memory_space<hbm>> -> memref<128x128xi32, #tpu.memory_space<hbm>>
      %dma_start3A_79 = arith.constant 0 : i32
      %dma_start3A_80 = tpu.memref_slice %arg2[%add3A_41, %dma_start3A_79] : memref<8192x128xi32, #tpu.memory_space<hbm>> -> memref<128x128xi32, #tpu.memory_space<hbm>>
      tpu.enqueue_dma source(%dma_start3A_80 : memref<128x128xi32, #tpu.memory_space<hbm>>) target(%arg8 : memref<128x128xi32, #tpu.memory_space<vmem>>) target_semaphore(%run_scoped3A : memref<!tpu.dma_semaphore, #tpu.memory_space<semaphore_mem>>)
      %dma_wait3A = arith.constant 0 : i32
      %dma_wait3A_81 = tpu.memref_slice %arg2[%add3A_41, %dma_wait3A] : memref<8192x128xi32, #tpu.memory_space<hbm>> -> memref<128x128xi32, #tpu.memory_space<hbm>>
      %dma_wait3A_82 = arith.constant 0 : i32
      %dma_wait3A_83 = tpu.memref_slice %arg2[%add3A_41, %dma_wait3A_82] : memref<8192x128xi32, #tpu.memory_space<hbm>> -> memref<128x128xi32, #tpu.memory_space<hbm>>
      tpu.wait_dma2 semaphore(%run_scoped3A : memref<!tpu.dma_semaphore, #tpu.memory_space<semaphore_mem>>) src(%dma_wait3A_83 : memref<128x128xi32, #tpu.memory_space<hbm>>) dst(%arg8 : memref<128x128xi32, #tpu.memory_space<vmem>>)
      tpu.yield
    }) : () -> ()
    %scan3A_42 = arith.constant 0 : i32
    %scan3A_43 = arith.constant 0 : i32
    %scan3A_44 = arith.constant 128 : i32
    %scan3A_45 = arith.addi %scan3A_43, %scan3A_44 : i32
    %scan3A_46 = arith.constant 1 : i32
    scf.for %scan3A_78 = %scan3A_43 to %scan3A_45 step %scan3A_46  : i32 {
      %dma_start3A = arith.constant 0 : i32
      %dma_start3A_79 = tpu.memref_slice %arg9[%scan3A_78, %dma_start3A] : memref<128x128xi32, #tpu.memory_space<vmem>> -> memref<1x128xi32, #tpu.memory_space<vmem>>
      %dma_start3A_80 = tpu.memref_squeeze %dma_start3A_79 : memref<1x128xi32, #tpu.memory_space<vmem>> -> memref<128xi32, #tpu.memory_space<vmem>>
      %dma_start3A_81 = arith.constant 0 : i32
      %dma_start3A_82 = tpu.memref_slice %arg8[%scan3A_78, %dma_start3A_81] : memref<128x128xi32, #tpu.memory_space<vmem>> -> memref<1x128xi32, #tpu.memory_space<vmem>>
      %dma_start3A_83 = tpu.memref_squeeze %dma_start3A_82 : memref<1x128xi32, #tpu.memory_space<vmem>> -> memref<128xi32, #tpu.memory_space<vmem>>
      %dma_start3A_84 = arith.constant 0 : i32
      %dma_start3A_85 = tpu.memref_slice %arg4[%dma_start3A_84] : memref<17825792xi32, #tpu.memory_space<hbm>> -> memref<17825792xi32, #tpu.memory_space<hbm>>
      tpu.enqueue_indirect_dma source(%dma_start3A_85 : memref<17825792xi32, #tpu.memory_space<hbm>>) target(%dma_start3A_80 : memref<128xi32, #tpu.memory_space<vmem>>) offsets(%dma_start3A_83 : memref<128xi32, #tpu.memory_space<vmem>>) semaphore(%arg11 : memref<!tpu.dma_semaphore, #tpu.memory_space<semaphore_mem>>)
    }
    %scan3A_47 = arith.constant 128 : i32
    %scan3A_48 = arith.constant 0 : i32
    %scan3A_49 = arith.constant 0 : i32
    %scan3A_50 = arith.constant 128 : i32
    %scan3A_51 = arith.addi %scan3A_49, %scan3A_50 : i32
    %scan3A_52 = arith.constant 1 : i32
    scf.for %scan3A_78 = %scan3A_49 to %scan3A_51 step %scan3A_52  : i32 {
      %dma_wait3A = arith.constant 0 : i32
      %dma_wait3A_79 = tpu.memref_slice %arg9[%scan3A_78, %dma_wait3A] : memref<128x128xi32, #tpu.memory_space<vmem>> -> memref<1x128xi32, #tpu.memory_space<vmem>>
      %dma_wait3A_80 = tpu.memref_squeeze %dma_wait3A_79 : memref<1x128xi32, #tpu.memory_space<vmem>> -> memref<128xi32, #tpu.memory_space<vmem>>
      %dma_wait3A_81 = arith.constant 0 : i32
      %dma_wait3A_82 = tpu.memref_slice %arg8[%scan3A_78, %dma_wait3A_81] : memref<128x128xi32, #tpu.memory_space<vmem>> -> memref<1x128xi32, #tpu.memory_space<vmem>>
      %dma_wait3A_83 = tpu.memref_squeeze %dma_wait3A_82 : memref<1x128xi32, #tpu.memory_space<vmem>> -> memref<128xi32, #tpu.memory_space<vmem>>
      %dma_wait3A_84 = arith.constant 0 : i32
      %dma_wait3A_85 = tpu.memref_slice %arg4[%dma_wait3A_84] : memref<17825792xi32, #tpu.memory_space<hbm>> -> memref<17825792xi32, #tpu.memory_space<hbm>>
      tpu.wait_indirect_dma semaphore(%arg11 : memref<!tpu.dma_semaphore, #tpu.memory_space<semaphore_mem>>) src(%dma_wait3A_85 : memref<17825792xi32, #tpu.memory_space<hbm>>) dst(%dma_wait3A_80 : memref<128xi32, #tpu.memory_space<vmem>>)
    }
    %scan3A_53 = arith.constant 128 : i32
    %scan3A_54 = arith.constant 0 : i32
    %scan3A_55 = arith.constant 0 : i32
    %scan3A_56 = arith.constant 128 : i32
    %scan3A_57 = arith.addi %scan3A_55, %scan3A_56 : i32
    %scan3A_58 = arith.constant 1 : i32
    scf.for %scan3A_78 = %scan3A_55 to %scan3A_57 step %scan3A_58  : i32 {
      %dma_start3A = arith.constant 0 : i32
      %dma_start3A_79 = tpu.memref_slice %arg10[%scan3A_78, %dma_start3A] : memref<128x128xf32, #tpu.memory_space<vmem>> -> memref<1x128xf32, #tpu.memory_space<vmem>>
      %dma_start3A_80 = tpu.memref_squeeze %dma_start3A_79 : memref<1x128xf32, #tpu.memory_space<vmem>> -> memref<128xf32, #tpu.memory_space<vmem>>
      %dma_start3A_81 = arith.constant 0 : i32
      %dma_start3A_82 = tpu.memref_slice %arg9[%scan3A_78, %dma_start3A_81] : memref<128x128xi32, #tpu.memory_space<vmem>> -> memref<1x128xi32, #tpu.memory_space<vmem>>
      %dma_start3A_83 = tpu.memref_squeeze %dma_start3A_82 : memref<1x128xi32, #tpu.memory_space<vmem>> -> memref<128xi32, #tpu.memory_space<vmem>>
      %dma_start3A_84 = arith.constant 0 : i32
      %dma_start3A_85 = tpu.memref_slice %arg3[%dma_start3A_84] : memref<1048576xf32, #tpu.memory_space<hbm>> -> memref<1048576xf32, #tpu.memory_space<hbm>>
      tpu.enqueue_indirect_dma source(%dma_start3A_85 : memref<1048576xf32, #tpu.memory_space<hbm>>) target(%dma_start3A_80 : memref<128xf32, #tpu.memory_space<vmem>>) offsets(%dma_start3A_83 : memref<128xi32, #tpu.memory_space<vmem>>) semaphore(%arg11 : memref<!tpu.dma_semaphore, #tpu.memory_space<semaphore_mem>>)
    }
    %scan3A_59 = arith.constant 128 : i32
    %scan3A_60 = arith.constant 0 : i32
    %scan3A_61 = arith.constant 0 : i32
    %scan3A_62 = arith.constant 128 : i32
    %scan3A_63 = arith.addi %scan3A_61, %scan3A_62 : i32
    %scan3A_64 = arith.constant 1 : i32
    scf.for %scan3A_78 = %scan3A_61 to %scan3A_63 step %scan3A_64  : i32 {
      %dma_wait3A = arith.constant 0 : i32
      %dma_wait3A_79 = tpu.memref_slice %arg10[%scan3A_78, %dma_wait3A] : memref<128x128xf32, #tpu.memory_space<vmem>> -> memref<1x128xf32, #tpu.memory_space<vmem>>
      %dma_wait3A_80 = tpu.memref_squeeze %dma_wait3A_79 : memref<1x128xf32, #tpu.memory_space<vmem>> -> memref<128xf32, #tpu.memory_space<vmem>>
      %dma_wait3A_81 = arith.constant 0 : i32
      %dma_wait3A_82 = tpu.memref_slice %arg9[%scan3A_78, %dma_wait3A_81] : memref<128x128xi32, #tpu.memory_space<vmem>> -> memref<1x128xi32, #tpu.memory_space<vmem>>
      %dma_wait3A_83 = tpu.memref_squeeze %dma_wait3A_82 : memref<1x128xi32, #tpu.memory_space<vmem>> -> memref<128xi32, #tpu.memory_space<vmem>>
      %dma_wait3A_84 = arith.constant 0 : i32
      %dma_wait3A_85 = tpu.memref_slice %arg3[%dma_wait3A_84] : memref<1048576xf32, #tpu.memory_space<hbm>> -> memref<1048576xf32, #tpu.memory_space<hbm>>
      tpu.wait_indirect_dma semaphore(%arg11 : memref<!tpu.dma_semaphore, #tpu.memory_space<semaphore_mem>>) src(%dma_wait3A_85 : memref<1048576xf32, #tpu.memory_space<hbm>>) dst(%dma_wait3A_80 : memref<128xf32, #tpu.memory_space<vmem>>)
    }
    %scan3A_65 = arith.constant 128 : i32
    %scan3A_66 = arith.constant 0 : i32
    %scan3A_67 = arith.constant 0 : i32
    %scan3A_68 = arith.constant 128 : i32
    %scan3A_69 = arith.addi %scan3A_67, %scan3A_68 : i32
    %scan3A_70 = arith.constant 1 : i32
    scf.for %scan3A_78 = %scan3A_67 to %scan3A_69 step %scan3A_70  : i32 {
      %dma_start3A = arith.constant 0 : i32
      %dma_start3A_79 = tpu.memref_slice %arg10[%scan3A_78, %dma_start3A] : memref<128x128xf32, #tpu.memory_space<vmem>> -> memref<1x128xf32, #tpu.memory_space<vmem>>
      %dma_start3A_80 = tpu.memref_squeeze %dma_start3A_79 : memref<1x128xf32, #tpu.memory_space<vmem>> -> memref<128xf32, #tpu.memory_space<vmem>>
      %dma_start3A_81 = arith.constant 0 : i32
      %dma_start3A_82 = tpu.memref_slice %arg8[%scan3A_78, %dma_start3A_81] : memref<128x128xi32, #tpu.memory_space<vmem>> -> memref<1x128xi32, #tpu.memory_space<vmem>>
      %dma_start3A_83 = tpu.memref_squeeze %dma_start3A_82 : memref<1x128xi32, #tpu.memory_space<vmem>> -> memref<128xi32, #tpu.memory_space<vmem>>
      %dma_start3A_84 = arith.constant 0 : i32
      %dma_start3A_85 = tpu.memref_slice %arg5[%dma_start3A_84] : memref<16777216xf32, #tpu.memory_space<hbm>> -> memref<16777216xf32, #tpu.memory_space<hbm>>
      tpu.enqueue_indirect_dma source(%dma_start3A_80 : memref<128xf32, #tpu.memory_space<vmem>>) target(%dma_start3A_85 : memref<16777216xf32, #tpu.memory_space<hbm>>) offsets(%dma_start3A_83 : memref<128xi32, #tpu.memory_space<vmem>>) semaphore(%arg11 : memref<!tpu.dma_semaphore, #tpu.memory_space<semaphore_mem>>)
    }
    %scan3A_71 = arith.constant 128 : i32
    %scan3A_72 = arith.constant 0 : i32
    %scan3A_73 = arith.constant 0 : i32
    %scan3A_74 = arith.constant 128 : i32
    %scan3A_75 = arith.addi %scan3A_73, %scan3A_74 : i32
    %scan3A_76 = arith.constant 1 : i32
    scf.for %scan3A_78 = %scan3A_73 to %scan3A_75 step %scan3A_76  : i32 {
      %dma_wait3A = arith.constant 0 : i32
      %dma_wait3A_79 = tpu.memref_slice %arg10[%scan3A_78, %dma_wait3A] : memref<128x128xf32, #tpu.memory_space<vmem>> -> memref<1x128xf32, #tpu.memory_space<vmem>>
      %dma_wait3A_80 = tpu.memref_squeeze %dma_wait3A_79 : memref<1x128xf32, #tpu.memory_space<vmem>> -> memref<128xf32, #tpu.memory_space<vmem>>
      %dma_wait3A_81 = arith.constant 0 : i32
      %dma_wait3A_82 = tpu.memref_slice %arg8[%scan3A_78, %dma_wait3A_81] : memref<128x128xi32, #tpu.memory_space<vmem>> -> memref<1x128xi32, #tpu.memory_space<vmem>>
      %dma_wait3A_83 = tpu.memref_squeeze %dma_wait3A_82 : memref<1x128xi32, #tpu.memory_space<vmem>> -> memref<128xi32, #tpu.memory_space<vmem>>
      %dma_wait3A_84 = arith.constant 0 : i32
      %dma_wait3A_85 = tpu.memref_slice %arg5[%dma_wait3A_84] : memref<16777216xf32, #tpu.memory_space<hbm>> -> memref<16777216xf32, #tpu.memory_space<hbm>>
      tpu.wait_indirect_dma semaphore(%arg11 : memref<!tpu.dma_semaphore, #tpu.memory_space<semaphore_mem>>) src(%dma_wait3A_80 : memref<128xf32, #tpu.memory_space<vmem>>) dst(%dma_wait3A_85 : memref<16777216xf32, #tpu.memory_space<hbm>>)
    }
    %scan3A_77 = arith.constant 128 : i32
    return
  }
}

module attributes {stable_mosaic.version = 14 : i64} {
  func.func @_copy_body(%arg0: i32, %arg1: memref<64x8192xf32, #tpu.memory_space<vmem>>, %arg2: memref<64x8192xf32, #tpu.memory_space<vmem>>) attributes {dimension_semantics = [#tpu.dimension_semantics<arbitrary>], iteration_bounds = array<i64: 32>, scalar_prefetch = 0 : i64, scratch_operands = 0 : i64, tpu.core_type = #tpu.core_type<tc>, window_params = [{transform_indices = @transform_0, window_bounds = array<i64: 64, 8192>}, {transform_indices = @transform_1, window_bounds = array<i64: 64, 8192>}]} {
    %get3A = arith.constant 0 : index
    %get3A_0 = arith.constant 0 : index
    %get3A_1 = vector.load %arg1[%get3A, %get3A_0] : memref<64x8192xf32, #tpu.memory_space<vmem>>, vector<64x8192xf32>
    %swap3A = arith.constant 0 : index
    %swap3A_2 = arith.constant 0 : index
    %swap3A_3 = vector.load %arg2[%swap3A, %swap3A_2] : memref<64x8192xf32, #tpu.memory_space<vmem>>, vector<64x8192xf32>
    tpu.vector_store %arg2[%swap3A, %swap3A_2], %get3A_1 {strides = array<i32>} : memref<64x8192xf32, #tpu.memory_space<vmem>>, vector<64x8192xf32>,
    return
  }
  func.func @transform_0(%arg0: i32) -> (i32, i32) {
    %c0_i32 = arith.constant 0 : i32
    %c0_i32_0 = arith.constant 0 : i32
    return %arg0, %c0_i32 : i32, i32
  }
  func.func @transform_1(%arg0: i32) -> (i32, i32) {
    %c0_i32 = arith.constant 0 : i32
    %c0_i32_0 = arith.constant 0 : i32
    return %arg0, %c0_i32 : i32, i32
  }
}

module attributes {stable_mosaic.version = 14 : i64} {
  func.func @_viol_body(%arg0: i32, %arg1: memref<2048x128xi32, #tpu.memory_space<vmem>>, %arg2: memref<2048x128xi32, #tpu.memory_space<vmem>>, %arg3: memref<2048x128xi32, #tpu.memory_space<vmem>>, %arg4: memref<2048x128xi32, #tpu.memory_space<vmem>>) attributes {dimension_semantics = [#tpu.dimension_semantics<arbitrary>], iteration_bounds = array<i64: 4>, scalar_prefetch = 0 : i64, scratch_operands = 0 : i64, tpu.core_type = #tpu.core_type<tc>, window_params = [{transform_indices = @transform_0, window_bounds = array<i64: 2048, 128>}, {transform_indices = @transform_1, window_bounds = array<i64: 2048, 128>}, {transform_indices = @transform_2, window_bounds = array<i64: 2048, 128>}, {transform_indices = @transform_3, window_bounds = array<i64: 2048, 128>}]} {
    %get3A = arith.constant 0 : index
    %get3A_0 = arith.constant 0 : index
    %get3A_1 = vector.load %arg2[%get3A, %get3A_0] : memref<2048x128xi32, #tpu.memory_space<vmem>>, vector<2048x128xi32>
    %get3A_2 = arith.constant 0 : index
    %get3A_3 = arith.constant 0 : index
    %get3A_4 = vector.load %arg3[%get3A_2, %get3A_3] : memref<2048x128xi32, #tpu.memory_space<vmem>>, vector<2048x128xi32>
    %gt3A = arith.cmpi sgt, %get3A_1, %get3A_4 : vector<2048x128xi32>
    %get3A_5 = arith.constant 0 : index
    %get3A_6 = arith.constant 0 : index
    %get3A_7 = vector.load %arg2[%get3A_5, %get3A_6] : memref<2048x128xi32, #tpu.memory_space<vmem>>, vector<2048x128xi32>
    %jit3A = arith.constant 128 : i32
    %eq3A = arith.constant 0 : i32
    %eq3A_8 = arith.cmpi eq, %jit3A, %eq3A : i32
    %jit3A_9 = arith.constant 1 : i32
    %select_n3A = arith.select %eq3A_8, %jit3A_9, %jit3A : i32
    %rem3A = vector.broadcast %select_n3A : i32 to vector<2048x128xi32>
    %rem3A_10 = arith.remsi %get3A_7, %rem3A : vector<2048x128xi32>
    %ne3A = arith.constant 0 : i32
    %ne3A_11 = vector.broadcast %ne3A : i32 to vector<2048x128xi32>
    %ne3A_12 = arith.cmpi ne, %rem3A_10, %ne3A_11 : vector<2048x128xi32>
    %lt3A = arith.constant 0 : i32
    %lt3A_13 = vector.broadcast %lt3A : i32 to vector<2048x128xi32>
    %lt3A_14 = arith.cmpi slt, %rem3A_10, %lt3A_13 : vector<2048x128xi32>
    %lt3A_15 = arith.constant 0 : i32
    %lt3A_16 = arith.cmpi slt, %select_n3A, %lt3A_15 : i32
    %ne3A_17 = vector.broadcast %lt3A_16 : i1 to vector<2048x128xi1>
    %ne3A_18 = vector.broadcast %ne3A_17 : vector<2048x128xi1> to vector<2048x128xi1>
    %ne3A_19 = arith.xori %lt3A_14, %ne3A_18 : vector<2048x128xi1>
    %and3A = arith.andi %ne3A_19, %ne3A_12 : vector<2048x128xi1>
    %add3A = vector.broadcast %select_n3A : i32 to vector<2048x128xi32>
    %add3A_20 = arith.addi %rem3A_10, %add3A : vector<2048x128xi32>
    %select_n3A_21 = arith.select %and3A, %add3A_20, %rem3A_10 : vector<2048x128xi1>, vector<2048x128xi32>
    %mul3A = arith.constant 8192 : i32
    %mul3A_22 = vector.broadcast %mul3A : i32 to vector<2048x128xi32>
    %mul3A_23 = arith.muli %select_n3A_21, %mul3A_22 : vector<2048x128xi32>
    %add3A_24 = arith.constant 16777216 : i32
    %add3A_25 = vector.broadcast %add3A_24 : i32 to vector<2048x128xi32>
    %add3A_26 = arith.addi %add3A_25, %mul3A_23 : vector<2048x128xi32>
    %get3A_27 = arith.constant 0 : index
    %get3A_28 = arith.constant 0 : index
    %get3A_29 = vector.load %arg2[%get3A_27, %get3A_28] : memref<2048x128xi32, #tpu.memory_space<vmem>>, vector<2048x128xi32>
    %jit3A_30 = arith.constant 128 : i32
    %div3A = vector.broadcast %jit3A_30 : i32 to vector<2048x128xi32>
    %div3A_31 = arith.divsi %get3A_29, %div3A : vector<2048x128xi32>
    %sign3A = arith.constant 0 : i32
    %sign3A_32 = vector.broadcast %sign3A : i32 to vector<2048x128xi32>
    %sign3A_33 = arith.cmpi sgt, %get3A_29, %sign3A_32 : vector<2048x128xi32>
    %sign3A_34 = arith.extui %sign3A_33 : vector<2048x128xi1> to vector<2048x128xi32>
    %sign3A_35 = arith.constant 0 : i32
    %sign3A_36 = vector.broadcast %sign3A_35 : i32 to vector<2048x128xi32>
    %sign3A_37 = arith.cmpi slt, %get3A_29, %sign3A_36 : vector<2048x128xi32>
    %sign3A_38 = arith.extui %sign3A_37 : vector<2048x128xi1> to vector<2048x128xi32>
    %sign3A_39 = arith.subi %sign3A_34, %sign3A_38 : vector<2048x128xi32>
    %sign3A_40 = arith.constant 0 : i32
    %sign3A_41 = arith.cmpi sgt, %jit3A_30, %sign3A_40 : i32
    %sign3A_42 = arith.extui %sign3A_41 : i1 to i32
    %sign3A_43 = arith.constant 0 : i32
    %sign3A_44 = arith.cmpi slt, %jit3A_30, %sign3A_43 : i32
    %sign3A_45 = arith.extui %sign3A_44 : i1 to i32
    %sign3A_46 = arith.subi %sign3A_42, %sign3A_45 : i32
    %ne3A_47 = vector.broadcast %sign3A_46 : i32 to vector<2048x128xi32>
    %ne3A_48 = arith.cmpi ne, %sign3A_39, %ne3A_47 : vector<2048x128xi32>
    %rem3A_49 = vector.broadcast %jit3A_30 : i32 to vector<2048x128xi32>
    %rem3A_50 = arith.remsi %get3A_29, %rem3A_49 : vector<2048x128xi32>
    %ne3A_51 = arith.constant 0 : i32
    %ne3A_52 = vector.broadcast %ne3A_51 : i32 to vector<2048x128xi32>
    %ne3A_53 = arith.cmpi ne, %rem3A_50, %ne3A_52 : vector<2048x128xi32>
    %and3A_54 = arith.andi %ne3A_48, %ne3A_53 : vector<2048x128xi1>
    %sub3A = arith.constant 1 : i32
    %sub3A_55 = vector.broadcast %sub3A : i32 to vector<2048x128xi32>
    %sub3A_56 = arith.subi %div3A_31, %sub3A_55 : vector<2048x128xi32>
    %select_n3A_57 = arith.select %and3A_54, %sub3A_56, %div3A_31 : vector<2048x128xi1>, vector<2048x128xi32>
    %add3A_58 = arith.addi %add3A_26, %select_n3A_57 : vector<2048x128xi32>
    %get3A_59 = arith.constant 0 : index
    %get3A_60 = arith.constant 0 : index
    %get3A_61 = vector.load %arg1[%get3A_59, %get3A_60] : memref<2048x128xi32, #tpu.memory_space<vmem>>, vector<2048x128xi32>
    %select_n3A_62 = arith.select %gt3A, %get3A_61, %add3A_58 : vector<2048x128xi1>, vector<2048x128xi32>
    %swap3A = arith.constant 0 : index
    %swap3A_63 = arith.constant 0 : index
    %swap3A_64 = vector.load %arg4[%swap3A, %swap3A_63] : memref<2048x128xi32, #tpu.memory_space<vmem>>, vector<2048x128xi32>
    tpu.vector_store %arg4[%swap3A, %swap3A_63], %select_n3A_62 {strides = array<i32>} : memref<2048x128xi32, #tpu.memory_space<vmem>>, vector<2048x128xi32>,
    return
  }
  func.func @transform_0(%arg0: i32) -> (i32, i32) {
    %c0_i32 = arith.constant 0 : i32
    %c0_i32_0 = arith.constant 0 : i32
    return %arg0, %c0_i32 : i32, i32
  }
  func.func @transform_1(%arg0: i32) -> (i32, i32) {
    %c0_i32 = arith.constant 0 : i32
    %c0_i32_0 = arith.constant 0 : i32
    return %arg0, %c0_i32 : i32, i32
  }
  func.func @transform_2(%arg0: i32) -> (i32, i32) {
    %c0_i32 = arith.constant 0 : i32
    %c0_i32_0 = arith.constant 0 : i32
    return %arg0, %c0_i32 : i32, i32
  }
  func.func @transform_3(%arg0: i32) -> (i32, i32) {
    %c0_i32 = arith.constant 0 : i32
    %c0_i32_0 = arith.constant 0 : i32
    return %arg0, %c0_i32 : i32, i32
  }
}

module attributes {stable_mosaic.version = 14 : i64} {
  func.func @_interp_body(%arg0: i32, %arg1: memref<1xf32, #tpu.memory_space<smem>>, %arg2: memref<256x1024xf32, #tpu.memory_space<vmem>>, %arg3: memref<256x1024xf32, #tpu.memory_space<vmem>>, %arg4: memref<256x1024xf32, #tpu.memory_space<vmem>>) attributes {dimension_semantics = [#tpu.dimension_semantics<arbitrary>], iteration_bounds = array<i64: 4>, scalar_prefetch = 0 : i64, scratch_operands = 0 : i64, tpu.core_type = #tpu.core_type<tc>, window_params = [{transform_indices = @transform_0, window_bounds = array<i64: 1>}, {transform_indices = @transform_1, window_bounds = array<i64: 256, 1024>}, {transform_indices = @transform_2, window_bounds = array<i64: 256, 1024>}, {transform_indices = @transform_3, window_bounds = array<i64: 256, 1024>}]} {
    %get3A = arith.constant 0 : index
    %get3A_0 = memref.load %arg1[%get3A] : memref<1xf32, #tpu.memory_space<smem>>
    %sub3A = arith.constant 1.000000e+00 : f32
    %sub3A_1 = arith.subf %sub3A, %get3A_0 : f32
    %get3A_2 = arith.constant 0 : index
    %get3A_3 = arith.constant 0 : index
    %get3A_4 = vector.load %arg2[%get3A_2, %get3A_3] : memref<256x1024xf32, #tpu.memory_space<vmem>>, vector<256x1024xf32>
    %mul3A = vector.broadcast %sub3A_1 : f32 to vector<256x1024xf32>
    %mul3A_5 = arith.mulf %mul3A, %get3A_4 : vector<256x1024xf32>
    %get3A_6 = arith.constant 0 : index
    %get3A_7 = arith.constant 0 : index
    %get3A_8 = vector.load %arg3[%get3A_6, %get3A_7] : memref<256x1024xf32, #tpu.memory_space<vmem>>, vector<256x1024xf32>
    %mul3A_9 = vector.broadcast %get3A_0 : f32 to vector<256x1024xf32>
    %mul3A_10 = arith.mulf %mul3A_9, %get3A_8 : vector<256x1024xf32>
    %add3A = arith.addf %mul3A_5, %mul3A_10 : vector<256x1024xf32>
    %swap3A = arith.constant 0 : index
    %swap3A_11 = arith.constant 0 : index
    %swap3A_12 = vector.load %arg4[%swap3A, %swap3A_11] : memref<256x1024xf32, #tpu.memory_space<vmem>>, vector<256x1024xf32>
    tpu.vector_store %arg4[%swap3A, %swap3A_11], %add3A {strides = array<i32>} : memref<256x1024xf32, #tpu.memory_space<vmem>>, vector<256x1024xf32>,
    return
  }
  func.func @transform_0(%arg0: i32) -> i32 {
    %c0_i32 = arith.constant 0 : i32
    %c0_i32_0 = arith.constant 0 : i32
    return %c0_i32 : i32
  }
  func.func @transform_1(%arg0: i32) -> (i32, i32) {
    %c0_i32 = arith.constant 0 : i32
    %c0_i32_0 = arith.constant 0 : i32
    return %arg0, %c0_i32 : i32, i32
  }
  func.func @transform_2(%arg0: i32) -> (i32, i32) {
    %c0_i32 = arith.constant 0 : i32
    %c0_i32_0 = arith.constant 0 : i32
    return %arg0, %c0_i32 : i32, i32
  }
  func.func @transform_3(%arg0: i32) -> (i32, i32) {
    %c0_i32 = arith.constant 0 : i32
    %c0_i32_0 = arith.constant 0 : i32
    return %arg0, %c0_i32 : i32, i32
  }
}

</mosaic_0001>

<sc_bundles>
// kernel: kernel.12.cloned.1.call-start
scs
__scs_entry_jumppad:
0x0: {  	(pc) =	sbr.rel $0x88, $3  }
0x1: {  	(tag) =	ssettag $0x0;
	lr =	simm.s32 $0x1  }
0x2: {  	[smem:$0x3F9C] =	sst lr;
	_ =	strace $0xD0000000  }
0x3: {  	_ = 	snop  }
0x4: {  	_ = 	snop  }
0x5: {  	_ = 	snop  }
0x6: {  	_ = 	snop  }
0x7: {  	_ = 	snop  }
__scs_overlays_trampoline_lowered:
0x8: {  	[smem:$0x3FAB] =	sst s0  }
0x9: {  	[smem:$0x3FAC] =	sst s1  }
0xa: {  	[smem:$0x3FAD] =	sst s2  }
0xb: {  	[smem:$0x3FAE] =	sst s3  }
0xc: {  	[smem:$0x3FAF] =	sst s4  }
0xd: {  	[smem:$0x3FB0] =	sst s5  }
0xe: {  	[smem:$0x3FB1] =	sst s6  }
0xf: {  	[smem:$0x3FB2] =	sst s7  }
0x10: {  	[smem:$0x3FB3] =	sst s8  }
0x11: {  	[smem:$0x3FB4] =	sst s9;
	s0 =	simm.s32 @!p0 $0x0  }
0x12: {  	s1 =	sld [smem:$0x3F9A];
	s0 =	simm.s32 @p0 $0x1  }
0x13: {  	[smem:$0x3FB5] =	sst s0;
	s0 =	simm.s32 @!p1 $0x0  }
0x14: {  	s2 =	sld [smem:$0x3F99];
	s0 =	simm.s32 @p1 $0x1  }
0x15: {  	[smem:$0x3FB6] =	sst s0;
	s0 =	simm.s32 @!p2 $0x0  }
0x16: {  	s3 =	sld [smem:$0x3FDB];
	s0 =	simm.s32 @p2 $0x1  }
0x17: {  	s4 =	simm.s32 $0x1BF5;
	[smem:$0x3FB8] =	sst s0  }
0x18: {  	s0 =	sld [smem:$0x3F9B];
	_ =	swait.ge [sflag:s4], $0x0  }
0x19: {  	s7 =	sld [smem:$0x3F9C]  }
0x1a: {  	s8 =	sadd.s32 $0xFFFFE003, lr  }
0x1b: {  	s9 =	sadd.s32 $0xFFFFFEF7, lr;
	s5 =	simm.s32 $0xFFFFFFFF;
	p2 =	slt.u32 s8, $0xFFFFF086  }
0x1c: {  	p1 =	slt.u32 s9, $0xF7A;
	s5 =	simm.s32 @!p2 $0x0  }
0x1d: {  	s5 =	simm.s32 @p1 $0x1;
	p0 =	seq.s32 s7, s2  }
0x1e: {  	s7 =	smul.u32 @!p0 $0xF7A, s2;
	p2 =	seq.s32 @!p0 s5, $0x0  }
0x1f: {  	s9 =	smul.u32 $0xF7A, s1;
	s8 =	simm.s32 @!p0 $0x1BF5;
	p2 =	por !p2, p0  }
0x20: {  	[sflag:s8] =	ssyncset.s32 @!p0 $0xFFFFF086;
	s6 =	sadd.s32 @!p0 s3, s7;
	s7 =	simm.s32 @!p0 $0x108  }
0x21: {  	s3 =	sadd.s32 s3, s9;
	s6 =	sadd.s32 @!p0 $0x88, s6;
	s7 =	simm.s32 @p2 $0x1082  }
0x22: {  	[simem:s7], [sflag:s8] =	dma.local @!p0 [hbm:s6], $0xF7A  }
0x23: {  	s9 =	sor.u32 $0xD0000000, s2;
	s6 =	simm.s32 $0x108;
	_ =	swait.ge @!p0 [sflag:s8], $0x0  }
0x24: {  	s3 =	sadd.s32 $0x88, s3;
	s6 =	simm.s32 @!p1 $0x1082;
	[sflag:s4] =	ssyncset.s32 $0xFFFFF086  }
0x25: {  	[simem:s6], [sflag:s4] =	dma.local [hbm:s3], $0xF7A  }
0x26: {  	[smem:$0x3F9C] =	sst s1;
	(tag) =	ssettag s2;
	_ =	strace s9  }
0x27: {  	s1 =	sld [smem:$0x3FAC]  }
0x28: {  	s2 =	sld [smem:$0x3FAD]  }
0x29: {  	s4 =	sld [smem:$0x3FAF]  }
0x2a: {  	p0 =	seq.s32 s5, $0x0;
	s5 =	sld [smem:$0x3FB0]  }
0x2b: {  	s6 =	sld [smem:$0x3FB1]  }
0x2c: {  	s7 =	sld [smem:$0x3FB2]  }
0x2d: {  	s3 =	simm.s32 $0x108;
	s8 =	sld [smem:$0x3FB3]  }
0x2e: {  	s3 =	simm.s32 @!p0 $0x1082;
	s9 =	sld [smem:$0x3FB4]  }
0x2f: {  	lr =	sadd.s32 s0, s3;
	s0 =	sld [smem:$0x3FAB]  }
0x30: {  	s3 =	sld [smem:$0x3FAE]  }
0x31: {  	[smem:$0x3FB7] =	sst s10  }
0x32: {  	s10 =	sld [smem:$0x3FB5];
	_ =	sdelay $0x3  }
0x33: {  	p0 =	seq.s32 s10, $0x1;
	s10 =	sld [smem:$0x3FB7];
	_ =	sdelay $0x3  }
0x34: {  	[smem:$0x3FB7] =	sst s10  }
0x35: {  	s10 =	sld [smem:$0x3FB6];
	_ =	sdelay $0x3  }
0x36: {  	p1 =	seq.s32 s10, $0x1;
	s10 =	sld [smem:$0x3FB7];
	_ =	sdelay $0x3  }
0x37: {  	[smem:$0x3FB7] =	sst s10  }
0x38: {  	s10 =	sld [smem:$0x3FB8]  }
0x39: {  	_ = 	snop;
	(pc) =	sbr.ind lr, $3  }
0x3a: {  	_ = 	snop  }
0x3b: {  	_ = 	snop  }
0x3c: {  	p2 =	seq.s32 s10, $0x1;
	s10 =	sld [smem:$0x3FB7]  }
0x3d: {  	_ =	shalt  }
0x3e: {  	_ =	shalt  }
0x3f: {  	_ =	shalt  }
0x40: {  	_ =	shalt  }
0x41: {  	_ =	shalt  }
0x42: {  	_ =	shalt  }
0x43: {  	_ =	shalt  }
0x44: {  	_ =	shalt  }
0x45: {  	_ =	shalt  }
0x46: {  	_ =	shalt  }
0x47: {  	_ =	shalt  }
0x48: {  	_ =	shalt  }
0x49: {  	_ =	shalt  }
0x4a: {  	_ =	shalt  }
0x4b: {  	_ =	shalt  }
0x4c: {  	_ =	shalt  }
0x4d: {  	_ =	shalt  }
0x4e: {  	_ =	shalt  }
0x4f: {  	_ =	shalt  }
0x50: {  	_ =	shalt  }
0x51: {  	_ =	shalt  }
0x52: {  	_ =	shalt  }
0x53: {  	_ =	shalt  }
0x54: {  	_ =	shalt  }
0x55: {  	_ =	shalt  }
0x56: {  	_ =	shalt  }
0x57: {  	_ =	shalt  }
0x58: {  	_ =	shalt  }
0x59: {  	_ =	shalt  }
0x5a: {  	_ =	shalt  }
0x5b: {  	_ =	shalt  }
0x5c: {  	_ =	shalt  }
0x5d: {  	_ =	shalt  }
0x5e: {  	_ =	shalt  }
0x5f: {  	_ =	shalt  }
0x60: {  	_ =	shalt  }
0x61: {  	_ =	shalt  }
0x62: {  	_ =	shalt  }
0x63: {  	_ =	shalt  }
0x64: {  	_ =	shalt  }
0x65: {  	_ =	shalt  }
0x66: {  	_ =	shalt  }
0x67: {  	_ =	shalt  }
0x68: {  	_ =	shalt  }
0x69: {  	_ =	shalt  }
0x6a: {  	_ =	shalt  }
0x6b: {  	_ =	shalt  }
0x6c: {  	_ =	shalt  }
0x6d: {  	_ =	shalt  }
0x6e: {  	_ =	shalt  }
0x6f: {  	_ =	shalt  }
0x70: {  	_ =	shalt  }
0x71: {  	_ =	shalt  }
0x72: {  	_ =	shalt  }
0x73: {  	_ =	shalt  }
0x74: {  	_ =	shalt  }
0x75: {  	_ =	shalt  }
0x76: {  	_ =	shalt  }
0x77: {  	_ =	shalt  }
0x78: {  	_ =	shalt  }
0x79: {  	_ =	shalt  }
0x7a: {  	_ =	shalt  }
0x7b: {  	_ =	shalt  }
0x7c: {  	_ =	shalt  }
0x7d: {  	_ =	shalt  }
0x7e: {  	_ =	shalt  }
0x7f: {  	_ =	shalt  }
0x80: {  	_ =	shalt  }
0x81: {  	_ =	shalt  }
0x82: {  	_ =	shalt  }
0x83: {  	_ =	shalt  }
0x84: {  	_ =	shalt  }
0x85: {  	_ =	shalt  }
0x86: {  	_ =	shalt  }
0x87: {  	_ =	shalt  }
.Lfunc_end0:
.L_simem_size_0:
called_computation.2_lowered:
.L_overlay_start_0:
0x88: {  	s2 =	sld [smem:$0x3FD9]  }
0x89: {  	s3 =	sld [smem:$0x3FFE];
	_ =	sdelay $0x1  }
0x8a: {  	s1 =	srdreg.scid  }
0x8b: {  	s0 =	sand.u32 $0x1, s1  }
0x8c: {  	s17 =	sshll.u32 s0, $0xA;
	s2 =	sadd.s32 s3, s2  }
0x8d: {  	s2 =	sadd.s32 s2, s17  }
0x8e: {  	[smem:$0x3FC3] =	sst s2  }
0x8f: {  	_ = 	snop  }
0x90: {  	s2 =	sld [smem:$0x3FC5];
	(tm) =	ssettm $0x1  }
0x91: {  	s18 =	sld [smem:$0x3FFB];
	_ =	sdelay $0x3  }
0x92: {  	_ =	strace s18  }
0x93: {  	s3 =	sld [smem:$0x3FFC];
	_ =	sdelay $0x3  }
0x94: {  	_ =	strace s3  }
0x95: {  	s3 =	sld [smem:$0x3FFD];
	_ =	sdelay $0x3  }
0x96: {  	_ =	strace s3  }
0x97: {  	_ =	strace $0x8FFFFFFF  }
0x98: {  	s19 =	sld [smem:$0x3FDB];
	_ =	sdelay $0x1  }
0x99: {  	s4 =	simm.s32 $_scs_section_size  }
0x9a: {  	s5 =	simm.s32 $_size__tile_overlayer_lowered;
	s6 =	simm.s32 $_tile_overlayer_lowered  }
0x9b: {  	s22 =	simm.s32 $0x1BFF;
	s21 =	sshll.u32 s6, $0x1;
	s3 =	sadd.s32 s4, s19  }
0x9c: {  	s7 =	simm.s32 $0x0;
	s20 =	sshll.u32 s5, $0x1;
	s5 =	sadd.s32 s21, s3  }
0x9d: {  	[timem:s7], [sflag:s22] =	dma.local [hbm:s5], s20  }
0x9e: {  	_ =	swait.ge [sflag:s22], s20  }
0x9f: {  	s4 =	ssub.s32 $0x0, s20;
	[sflag:s22] =	ssyncset.done $0x0  }
0xa0: {  	[sflag:s22] =	ssyncadd.s32 s4;
	_ =	sdelay $0x1  }
0xa1: {  	s23 =	simm.s32 $0x1B8B  }
0xa2: {  	_ =	swait.ge [sflag:s23], $0x1  }
0xa3: {  	[sflag:s23] =	ssyncset.done $0x0  }
0xa4: {  	s25 =	simm.s32 $0x1B8E;
	s24 =	sld [smem:$0x3FFE];
	[sflag:s23] =	ssyncadd.s32 $0xFFFFFFFF  }
0xa5: {  	s26 =	simm.s32 $execute0_lowered;
	[smem:$0x3FD2] =	sst s25  }
0xa6: {  	s5 =	sshll.u32 s26, $0x1;
	_ =	strace $0x80000049;
	[dreg:$0x1] =	wrdreg $0xFFFFFFFF  }
0xa7: {  	s28 =	simm.s32 $_size_execute0_lowered;
	s3 =	sadd.s32 s3, s5;
	[dreg:$0x0] =	wrdreg $0x0  }
0xa8: {  	s5 =	sshll.u32 s28, $0x1;
	[dreg:$0x2] =	wrdreg s3  }
0xa9: {  	[dreg:$0x3] =	wrdreg s5  }
0xaa: {  	[dreg:$0x4] =	wrdreg $0xC0  }
0xab: {  	_ =	task [dreg:s7], $0x5FFFF  }
0xac: {  	[dreg:$0x1] =	wrdreg $0xFFFFFFFF  }
0xad: {  	[dreg:$0x0] =	wrdreg $0x60  }
0xae: {  	[dreg:$0x2] =	wrdreg s2  }
0xaf: {  	[dreg:$0x3] =	wrdreg s24  }
0xb0: {  	[dreg:$0x4] =	wrdreg $0xA  }
0xb1: {  	_ =	task.clear_ibuf [dreg:s7], $0x5FFFF;
	_ =	strace $0x90000049  }
0xb2: {  	s29 =	simm.s32 $0xA;
	_ =	strace $0x8000004B  }
0xb3: {  	_ =	swait.ge [sflag:s29], $0x1  }
0xb4: {  	[sflag:s29] =	ssyncadd.s32 $0xFFFFFFFF  }
0xb5: {  	_ =	strace $0x9000004B  }
0xb6: {  	_ =	sfence  }
0xb7: {  	s30 =	sld [smem:$0x0];
	_ =	sdelay $0x2  }
0xb8: {  	s31 =	sshll.u32 s1, $0xD;
	s1 =	sshrl.u32 s1, $0x2  }
0xb9: {  	s3 =	sand.u32 $0x4000, s31;
	s1 =	sadd.s32 s1, s30  }
0xba: {  	s0 =	sor.u32 s3, s0;
	s1 =	sshll.u32 s1, $0x11  }
0xbb: {  	s0 =	sor.u32 s1, s0  }
0xbc: {  	s0 =	sadd.s32 $0x8F2B, s0  }
0xbd: {  	[sflag:s0] =	ssyncadd.remote.s32 $0x1  }
0xbe: {  	_ =	sfence.sel $0xFFFF  }
0xbf: {  	[dreg:$0x0] =	wrdreg $0xFFFFFFFF;
	(pc) =	sbr.abs _section_cstart, $3  }
0xc0: {  	[dreg:$0x1] =	wrdreg $0xFFFFFFFF  }
0xc1: {  	_ =	task.clear_ibuf [dreg:s7], $0x2FFFF;
	_ =	strace $0x9FFFFFFF  }
0xc2: {  	(tm) =	ssettm $0x7FFFFFFF  }
0xc3: {  	_ =	shalt  }
tec
execute0_lowered:
.L_overlay_start_1:
0x0: {  	(tag) =	ssettag $0x1  }
0x1: {  	s6 =	rddreg [dreg:$0x0]  }
0x2: {  	s4 =	rddreg [dreg:$0x1]  }
0x3: {  	s0 =	rddreg [dreg:$0x2]  }
0x4: {  	s2 =	simm.s32 $0x0;
	s3 =	srdreg.scid;
	s1 =	stileid.u32  }
0x5: {  	s11 =	simm.s32 $0x4000;
	s12 =	simm.s32 $0x0;
	[smem:$0x7FF] =	sst s2  }
0x6: {  	s3 =	sand.u32 $0x1, s3;
	s7 =	sshll.u32 s1, $0xD;
	s31 =	sadd.s32 $0x242400, s4  }
0x7: {  	_ =	strace $0x8000004A;
	s5 =	ssub.s32 $0x2, s3;
	s8 =	sshll.u32 s3, $0xC  }
0x8: {  	s3 =	sadd.s32 $0x22400, s4;
	s9 =	sshrl.u32 s5, $0x1;
	s7 =	sor.u32 s8, s7  }
0x9: {  	s9 =	ssub.s32 s5, s9;
	s10 =	sor.u32 $0x800, s7;
	s4 =	sadd.s32 s6, s7  }
0xa: {  	s5 =	sadd.s32 s31, s7;
	s6 =	sadd.s32 s6, s10;
	s7 =	sadd.s32 s31, s10  }
0xb: {  	s8 =	smax.u32 s9, $0x1;
	s9 =	simm.s32 $0x2;
	s10 =	simm.s32 $0x1  }
.LBB2_1:
0xc: {  	[tilespmem:s2], [sflag:$0x2] =	stream.linear.gather [hbm4b:s4+s2], $0x4000, $0x38;
	[tilespmem:$0x8000] =	vst v63  }
0xd: {  	_ =	swait.ge [sflag:s9], $0x4000  }
0xe: {  	s13 =	simm.s32 $0x200;
	s15 =	simm.s32 $0x0;
	[sflag:s9] =	ssyncset.done $0x0  }
0xf: {  	s16 =	simm.s32 $0x4000;
	s14 =	simm.s32 $0x80;
	[sflag:s9] =	ssyncadd.s32 $0xFFFFC000  }
.LBB2_2:
0x10: {  	[tilespmem:s16], [sflag:$0x1] =	stream.indirect.gather [hbm4b:s3+s14], $0x1, s15, s14, $0xb8;
	[tilespmem:$0x8000] =	vst v63  }
0x11: {  	s15 =	smov.u32 s13;
	p0 =	sne.s32 s13, $0xFE00  }
.Ltmp0:
0x12: {  	s13 =	sadd.s32 $0x200, s13;
	(pc) =	sbr.rel @p0 .LBB2_2-.Ltmp0, $3  }
0x13: {  	_ =	sdelay $0x1  }
0x14: {  	s15 =	sshra.s32 s15, $0x2  }
0x15: {  	s16 =	sadd.s32 $0x4000, s15  }
0x16: {  	[tilespmem:s16], [sflag:$0x1] =	stream.indirect.gather [hbm4b:s3+s14], $0x1, s15, s14, $0xb8;
	[tilespmem:$0x8000] =	vst v63  }
0x17: {  	_ =	swait.ge [sflag:s10], $0x80  }
0x18: {  	s13 =	simm.s32 $0x7F;
	[sflag:s10] =	ssyncset.done $0x0  }
.LBB2_4:
0x19: {  	p0 =	sne.s32 s13, $0x1;
	s13 =	sadd.s32 $0xFFFFFFFF, s13;
	[sflag:s10] =	ssyncadd.s32 $0xFFFFFF80  }
.Ltmp1:
0x1a: {  	(pc) =	sbr.rel @p0 .LBB2_4-.Ltmp1, $3  }
0x1b: {  	_ =	sdelay $0x1  }
0x1c: {  	_ =	swait.ge [sflag:s10], $0x80  }
0x1d: {  	[sflag:s10] =	ssyncset.done $0x0  }
0x1e: {  	[sflag:s10] =	ssyncadd.s32 $0xFFFFFF80;
	s13 =	simm.s32 $0x0  }
0x1f: {  	[hbm4b:s5+s13] =	stream.linear.scatter [tilespmem:s11], [sflag:$0x2], $0x4000, $0x38;
	[tilespmem:$0x8000] =	vst v63  }
0x20: {  	_ =	swait.ge [sflag:s9], $0x4000  }
0x21: {  	[sflag:s9] =	ssyncset.done $0x0  }
0x22: {  	[sflag:s9] =	ssyncadd.s32 $0xFFFFC000  }
0x23: {  	[tilespmem:s13], [sflag:$0x2] =	stream.linear.gather [hbm4b:s6+s13], $0x4000, $0x38;
	[tilespmem:$0x8000] =	vst v63  }
0x24: {  	_ =	swait.ge [sflag:s9], $0x4000  }
0x25: {  	s15 =	simm.s32 $0x0;
	s16 =	simm.s32 $0x4000;
	[sflag:s9] =	ssyncset.done $0x0  }
0x26: {  	s14 =	simm.s32 $0x80;
	s13 =	simm.s32 $0x200;
	[sflag:s9] =	ssyncadd.s32 $0xFFFFC000  }
.LBB2_6:
0x27: {  	[tilespmem:s16], [sflag:$0x1] =	stream.indirect.gather [hbm4b:s3+s14], $0x1, s15, s14, $0xb8;
	[tilespmem:$0x8000] =	vst v63  }
0x28: {  	s15 =	smov.u32 s13;
	p0 =	sne.s32 s13, $0xFE00  }
.Ltmp2:
0x29: {  	s13 =	sadd.s32 $0x200, s13;
	(pc) =	sbr.rel @p0 .LBB2_6-.Ltmp2, $3  }
0x2a: {  	_ =	sdelay $0x1  }
0x2b: {  	s15 =	sshra.s32 s15, $0x2  }
0x2c: {  	s16 =	sadd.s32 $0x4000, s15  }
0x2d: {  	[tilespmem:s16], [sflag:$0x1] =	stream.indirect.gather [hbm4b:s3+s14], $0x1, s15, s14, $0xb8;
	[tilespmem:$0x8000] =	vst v63  }
0x2e: {  	_ =	swait.ge [sflag:s10], $0x80  }
0x2f: {  	s13 =	simm.s32 $0x7F;
	[sflag:s10] =	ssyncset.done $0x0  }
.LBB2_8:
0x30: {  	p0 =	sne.s32 s13, $0x1;
	s13 =	sadd.s32 $0xFFFFFFFF, s13;
	[sflag:s10] =	ssyncadd.s32 $0xFFFFFF80  }
.Ltmp3:
0x31: {  	(pc) =	sbr.rel @p0 .LBB2_8-.Ltmp3, $3  }
0x32: {  	_ =	sdelay $0x1  }
0x33: {  	_ =	swait.ge [sflag:s10], $0x80  }
0x34: {  	[sflag:s10] =	ssyncset.done $0x0  }
0x35: {  	s12 =	sadd.s32 $0x1, s12  }
0x36: {  	p0 =	sne.s32 s12, s8  }
.Ltmp4:
0x37: {  	[sflag:s10] =	ssyncadd.s32 $0xFFFFFF80;
	(pc) =	sbr.rel @p0 .LBB2_1-.Ltmp4, $4  }
0x38: {  	[hbm4b:s7+s2] =	stream.linear.scatter [tilespmem:s11], [sflag:$0x2], $0x4000, $0x38;
	[tilespmem:$0x8000] =	vst v63  }
0x39: {  	_ =	swait.ge [sflag:s9], $0x4000  }
0x3a: {  	[sflag:s9] =	ssyncset.done $0x0  }
0x3b: {  	[sflag:s9] =	ssyncadd.s32 $0xFFFFC000  }
0x3c: {  	_ =	sfence.sel $0x180000  }
0x3d: {  	[bflag:$0x0] =	sbarrier.arrive $0xFFFF  }
0x3e: {  	p0 =	sne.s32 s1, $0x0;
	_ =	strace $0x9000004A  }
0x3f: {  	s0 =	sadd.s32 @!p0 $0x100000, s0;
	[bflag:$0x2] =	sbarrier.arrive $0xFFFF  }
0x40: {  	[sflag:s0] =	ssyncadd.tile.s32 @!p0 $0x1;
	_ =	shalt  }
.Lfunc_end2:
_tile_overlayer_lowered:
.L_overlay_start_2:
0x41: {  	(tag) =	ssettag $0x2  }
0x42: {  	s0 =	rddreg [dreg:$0x0];
	s2 =	stileid.u32  }
0x43: {  	s1 =	rddreg [dreg:$0x1];
	p0 =	sne.s32 s2, $0x0  }
0x44: {  	s3 =	rddreg [dreg:$0x2];
	[bflag:$0x3] =	sbarrier.arrive $0xFFFF;
	s2 =	simm.s32 @!p0 $0x1C02  }
0x45: {  	[timem:s3], [sflag:s2] =	dma.local @!p0 [hbm:s0], s1  }
0x46: {  	s0 =	simm.s32 @!p0 $0x2  }
0x47: {  	_ =	swait.ge @!p0 [sflag:s0], s1  }
0x48: {  	s1 =	ssub.s32 @!p0 $0x0, s1;
	[sflag:s0] =	ssyncset.done @!p0 $0x0  }
0x49: {  	[sflag:s0] =	ssyncadd.s32 @!p0 s1  }
0x4a: {  	[bflag:$0x3] =	sbarrier.arrive $0xFFFF  }
0x4b: {  	_ =	shalt  }

// kernel: kernel.15.cloned.1.call-start
scs
__scs_entry_jumppad:
0x0: {  	(pc) =	sbr.rel $0x88, $3  }
0x1: {  	(tag) =	ssettag $0x0;
	lr =	simm.s32 $0x1  }
0x2: {  	[smem:$0x3F9C] =	sst lr;
	_ =	strace $0xD0000000  }
0x3: {  	_ = 	snop  }
0x4: {  	_ = 	snop  }
0x5: {  	_ = 	snop  }
0x6: {  	_ = 	snop  }
0x7: {  	_ = 	snop  }
__scs_overlays_trampoline_lowered:
0x8: {  	[smem:$0x3FAB] =	sst s0  }
0x9: {  	[smem:$0x3FAC] =	sst s1  }
0xa: {  	[smem:$0x3FAD] =	sst s2  }
0xb: {  	[smem:$0x3FAE] =	sst s3  }
0xc: {  	[smem:$0x3FAF] =	sst s4  }
0xd: {  	[smem:$0x3FB0] =	sst s5  }
0xe: {  	[smem:$0x3FB1] =	sst s6  }
0xf: {  	[smem:$0x3FB2] =	sst s7  }
0x10: {  	[smem:$0x3FB3] =	sst s8  }
0x11: {  	[smem:$0x3FB4] =	sst s9;
	s0 =	simm.s32 @!p0 $0x0  }
0x12: {  	s1 =	sld [smem:$0x3F9A];
	s0 =	simm.s32 @p0 $0x1  }
0x13: {  	[smem:$0x3FB5] =	sst s0;
	s0 =	simm.s32 @!p1 $0x0  }
0x14: {  	s2 =	sld [smem:$0x3F99];
	s0 =	simm.s32 @p1 $0x1  }
0x15: {  	[smem:$0x3FB6] =	sst s0;
	s0 =	simm.s32 @!p2 $0x0  }
0x16: {  	s3 =	sld [smem:$0x3FDB];
	s0 =	simm.s32 @p2 $0x1  }
0x17: {  	s4 =	simm.s32 $0x1BF5;
	[smem:$0x3FB8] =	sst s0  }
0x18: {  	s0 =	sld [smem:$0x3F9B];
	_ =	swait.ge [sflag:s4], $0x0  }
0x19: {  	s7 =	sld [smem:$0x3F9C]  }
0x1a: {  	s8 =	sadd.s32 $0xFFFFE003, lr  }
0x1b: {  	s9 =	sadd.s32 $0xFFFFFEF7, lr;
	s5 =	simm.s32 $0xFFFFFFFF;
	p2 =	slt.u32 s8, $0xFFFFF086  }
0x1c: {  	p1 =	slt.u32 s9, $0xF7A;
	s5 =	simm.s32 @!p2 $0x0  }
0x1d: {  	s5 =	simm.s32 @p1 $0x1;
	p0 =	seq.s32 s7, s2  }
0x1e: {  	s7 =	smul.u32 @!p0 $0xF7A, s2;
	p2 =	seq.s32 @!p0 s5, $0x0  }
0x1f: {  	s9 =	smul.u32 $0xF7A, s1;
	s8 =	simm.s32 @!p0 $0x1BF5;
	p2 =	por !p2, p0  }
0x20: {  	[sflag:s8] =	ssyncset.s32 @!p0 $0xFFFFF086;
	s6 =	sadd.s32 @!p0 s3, s7;
	s7 =	simm.s32 @!p0 $0x108  }
0x21: {  	s3 =	sadd.s32 s3, s9;
	s6 =	sadd.s32 @!p0 $0x88, s6;
	s7 =	simm.s32 @p2 $0x1082  }
0x22: {  	[simem:s7], [sflag:s8] =	dma.local @!p0 [hbm:s6], $0xF7A  }
0x23: {  	s9 =	sor.u32 $0xD0000000, s2;
	s6 =	simm.s32 $0x108;
	_ =	swait.ge @!p0 [sflag:s8], $0x0  }
0x24: {  	s3 =	sadd.s32 $0x88, s3;
	s6 =	simm.s32 @!p1 $0x1082;
	[sflag:s4] =	ssyncset.s32 $0xFFFFF086  }
0x25: {  	[simem:s6], [sflag:s4] =	dma.local [hbm:s3], $0xF7A  }
0x26: {  	[smem:$0x3F9C] =	sst s1;
	(tag) =	ssettag s2;
	_ =	strace s9  }
0x27: {  	s1 =	sld [smem:$0x3FAC]  }
0x28: {  	s2 =	sld [smem:$0x3FAD]  }
0x29: {  	s4 =	sld [smem:$0x3FAF]  }
0x2a: {  	p0 =	seq.s32 s5, $0x0;
	s5 =	sld [smem:$0x3FB0]  }
0x2b: {  	s6 =	sld [smem:$0x3FB1]  }
0x2c: {  	s7 =	sld [smem:$0x3FB2]  }
0x2d: {  	s3 =	simm.s32 $0x108;
	s8 =	sld [smem:$0x3FB3]  }
0x2e: {  	s3 =	simm.s32 @!p0 $0x1082;
	s9 =	sld [smem:$0x3FB4]  }
0x2f: {  	lr =	sadd.s32 s0, s3;
	s0 =	sld [smem:$0x3FAB]  }
0x30: {  	s3 =	sld [smem:$0x3FAE]  }
0x31: {  	[smem:$0x3FB7] =	sst s10  }
0x32: {  	s10 =	sld [smem:$0x3FB5];
	_ =	sdelay $0x3  }
0x33: {  	p0 =	seq.s32 s10, $0x1;
	s10 =	sld [smem:$0x3FB7];
	_ =	sdelay $0x3  }
0x34: {  	[smem:$0x3FB7] =	sst s10  }
0x35: {  	s10 =	sld [smem:$0x3FB6];
	_ =	sdelay $0x3  }
0x36: {  	p1 =	seq.s32 s10, $0x1;
	s10 =	sld [smem:$0x3FB7];
	_ =	sdelay $0x3  }
0x37: {  	[smem:$0x3FB7] =	sst s10  }
0x38: {  	s10 =	sld [smem:$0x3FB8]  }
0x39: {  	_ = 	snop;
	(pc) =	sbr.ind lr, $3  }
0x3a: {  	_ = 	snop  }
0x3b: {  	_ = 	snop  }
0x3c: {  	p2 =	seq.s32 s10, $0x1;
	s10 =	sld [smem:$0x3FB7]  }
0x3d: {  	_ =	shalt  }
0x3e: {  	_ =	shalt  }
0x3f: {  	_ =	shalt  }
0x40: {  	_ =	shalt  }
0x41: {  	_ =	shalt  }
0x42: {  	_ =	shalt  }
0x43: {  	_ =	shalt  }
0x44: {  	_ =	shalt  }
0x45: {  	_ =	shalt  }
0x46: {  	_ =	shalt  }
0x47: {  	_ =	shalt  }
0x48: {  	_ =	shalt  }
0x49: {  	_ =	shalt  }
0x4a: {  	_ =	shalt  }
0x4b: {  	_ =	shalt  }
0x4c: {  	_ =	shalt  }
0x4d: {  	_ =	shalt  }
0x4e: {  	_ =	shalt  }
0x4f: {  	_ =	shalt  }
0x50: {  	_ =	shalt  }
0x51: {  	_ =	shalt  }
0x52: {  	_ =	shalt  }
0x53: {  	_ =	shalt  }
0x54: {  	_ =	shalt  }
0x55: {  	_ =	shalt  }
0x56: {  	_ =	shalt  }
0x57: {  	_ =	shalt  }
0x58: {  	_ =	shalt  }
0x59: {  	_ =	shalt  }
0x5a: {  	_ =	shalt  }
0x5b: {  	_ =	shalt  }
0x5c: {  	_ =	shalt  }
0x5d: {  	_ =	shalt  }
0x5e: {  	_ =	shalt  }
0x5f: {  	_ =	shalt  }
0x60: {  	_ =	shalt  }
0x61: {  	_ =	shalt  }
0x62: {  	_ =	shalt  }
0x63: {  	_ =	shalt  }
0x64: {  	_ =	shalt  }
0x65: {  	_ =	shalt  }
0x66: {  	_ =	shalt  }
0x67: {  	_ =	shalt  }
0x68: {  	_ =	shalt  }
0x69: {  	_ =	shalt  }
0x6a: {  	_ =	shalt  }
0x6b: {  	_ =	shalt  }
0x6c: {  	_ =	shalt  }
0x6d: {  	_ =	shalt  }
0x6e: {  	_ =	shalt  }
0x6f: {  	_ =	shalt  }
0x70: {  	_ =	shalt  }
0x71: {  	_ =	shalt  }
0x72: {  	_ =	shalt  }
0x73: {  	_ =	shalt  }
0x74: {  	_ =	shalt  }
0x75: {  	_ =	shalt  }
0x76: {  	_ =	shalt  }
0x77: {  	_ =	shalt  }
0x78: {  	_ =	shalt  }
0x79: {  	_ =	shalt  }
0x7a: {  	_ =	shalt  }
0x7b: {  	_ =	shalt  }
0x7c: {  	_ =	shalt  }
0x7d: {  	_ =	shalt  }
0x7e: {  	_ =	shalt  }
0x7f: {  	_ =	shalt  }
0x80: {  	_ =	shalt  }
0x81: {  	_ =	shalt  }
0x82: {  	_ =	shalt  }
0x83: {  	_ =	shalt  }
0x84: {  	_ =	shalt  }
0x85: {  	_ =	shalt  }
0x86: {  	_ =	shalt  }
0x87: {  	_ =	shalt  }
.Lfunc_end0:
.L_simem_size_0:
called_computation.3_lowered:
.L_overlay_start_0:
0x88: {  	s2 =	sld [smem:$0x3FD9]  }
0x89: {  	s3 =	sld [smem:$0x3FFE];
	_ =	sdelay $0x1  }
0x8a: {  	s1 =	srdreg.scid  }
0x8b: {  	s0 =	sand.u32 $0x1, s1  }
0x8c: {  	s17 =	sshll.u32 s0, $0xA;
	s2 =	sadd.s32 s3, s2  }
0x8d: {  	s2 =	sadd.s32 s2, s17  }
0x8e: {  	[smem:$0x3FC3] =	sst s2  }
0x8f: {  	_ = 	snop  }
0x90: {  	(tm) =	ssettm $0x1  }
0x91: {  	s18 =	sld [smem:$0x3FFB];
	_ =	sdelay $0x3  }
0x92: {  	_ =	strace s18  }
0x93: {  	s2 =	sld [smem:$0x3FFC];
	_ =	sdelay $0x3  }
0x94: {  	_ =	strace s2  }
0x95: {  	s2 =	sld [smem:$0x3FFD];
	_ =	sdelay $0x3  }
0x96: {  	_ =	strace s2  }
0x97: {  	_ =	strace $0x8FFFFFFF  }
0x98: {  	s19 =	sld [smem:$0x3FDB];
	_ =	sdelay $0x1  }
0x99: {  	s20 =	simm.s32 $_scs_section_size  }
0x9a: {  	s4 =	simm.s32 $_size__tile_overlayer_lowered;
	s5 =	simm.s32 $_tile_overlayer_lowered  }
0x9b: {  	s6 =	simm.s32 $0x1BFF;
	s21 =	sshll.u32 s5, $0x1;
	s3 =	sadd.s32 s20, s19  }
0x9c: {  	s22 =	simm.s32 $0x0;
	s4 =	sshll.u32 s4, $0x1;
	s5 =	sadd.s32 s21, s3  }
0x9d: {  	[timem:s22], [sflag:s6] =	dma.local [hbm:s5], s4  }
0x9e: {  	_ =	swait.ge [sflag:s6], s4  }
0x9f: {  	s4 =	ssub.s32 $0x0, s4;
	[sflag:s6] =	ssyncset.done $0x0  }
0xa0: {  	[sflag:s6] =	ssyncadd.s32 s4;
	_ =	sdelay $0x1  }
0xa1: {  	s23 =	simm.s32 $0x1B8B  }
0xa2: {  	_ =	swait.ge [sflag:s23], $0x1  }
0xa3: {  	[sflag:s23] =	ssyncset.done $0x0  }
0xa4: {  	[sflag:s23] =	ssyncadd.s32 $0xFFFFFFFF  }
0xa5: {  	s4 =	sld [smem:$0x0]  }
0xa6: {  	s5 =	sand.u32 $0xFFFFFFFE, s1  }
0xa7: {  	p0 =	sne.s32 s1, s5  }
0xa8: {  	s5 =	sshll.u32 @p0 s5, $0xE  }
0xa9: {  	s5 =	sadd.s32 @p0 $0x11B8D, s5;
	s6 =	sshll.u32 @p0 s4, $0x11  }
0xaa: {  	s5 =	sor.u32 @p0 s6, s5  }
0xab: {  	[sflag:s5] =	ssyncadd.remote.s32 @p0 $0x1;
	_ =	sdelay $0x1  }
0xac: {  	s5 =	simm.s32 @p0 $0x1B8D  }
0xad: {  	_ =	swait.eq @p0 [sflag:s5], $0x1  }
0xae: {  	[sflag:s5] =	ssyncadd.s32 @p0 $0xFFFFFFFF  }
0xaf: {  	s6 =	sshll.u32 @!p0 s1, $0xE  }
0xb0: {  	s6 =	sor.u32 @!p0 $0x4000, s6;
	s5 =	simm.s32 @!p0 $0x1B8D  }
0xb1: {  	s4 =	sshll.u32 @!p0 s4, $0x11;
	s6 =	sadd.s32 @!p0 $0x11B8D, s6;
	_ =	swait.eq @!p0 [sflag:s5], $0x1  }
0xb2: {  	s4 =	sor.u32 @!p0 s4, s6;
	[sflag:s5] =	ssyncadd.s32 @!p0 $0xFFFFFFFF  }
0xb3: {  	s25 =	simm.s32 $0x1B8E;
	s24 =	sld [smem:$0x3FFE];
	[sflag:s4] =	ssyncadd.remote.s32 @!p0 $0x1  }
0xb4: {  	s26 =	simm.s32 $execute0_lowered;
	[smem:$0x3FD2] =	sst s25  }
0xb5: {  	s5 =	sshll.u32 s26, $0x1;
	_ =	strace $0x8000004F;
	[dreg:$0x1] =	wrdreg $0xFFFFFFFF  }
0xb6: {  	s28 =	simm.s32 $_size_execute0_lowered;
	s3 =	sadd.s32 s3, s5;
	[dreg:$0x0] =	wrdreg $0x0  }
0xb7: {  	s5 =	sshll.u32 s28, $0x1;
	[dreg:$0x2] =	wrdreg s3  }
0xb8: {  	[dreg:$0x3] =	wrdreg s5  }
0xb9: {  	[dreg:$0x4] =	wrdreg $0xC0  }
0xba: {  	_ =	task [dreg:s22], $0x5FFFF  }
0xbb: {  	[dreg:$0x1] =	wrdreg $0xFFFFFFFF  }
0xbc: {  	[dreg:$0x0] =	wrdreg $0x60  }
0xbd: {  	[dreg:$0x2] =	wrdreg s24  }
0xbe: {  	[dreg:$0x3] =	wrdreg $0xA  }
0xbf: {  	_ =	task.clear_ibuf [dreg:s22], $0x4FFFF;
	_ =	strace $0x9000004F  }
0xc0: {  	s29 =	simm.s32 $0xA;
	_ =	strace $0x80000051  }
0xc1: {  	_ =	swait.ge [sflag:s29], $0x1  }
0xc2: {  	[sflag:s29] =	ssyncadd.s32 $0xFFFFFFFF  }
0xc3: {  	_ =	strace $0x90000051  }
0xc4: {  	_ =	sfence  }
0xc5: {  	s30 =	sld [smem:$0x0];
	_ =	sdelay $0x2  }
0xc6: {  	s31 =	sshll.u32 s1, $0xD;
	s1 =	sshrl.u32 s1, $0x2  }
0xc7: {  	s4 =	sand.u32 $0x4000, s31;
	s1 =	sadd.s32 s1, s30  }
0xc8: {  	s0 =	sor.u32 s4, s0;
	s1 =	sshll.u32 s1, $0x11  }
0xc9: {  	s0 =	sor.u32 s1, s0  }
0xca: {  	s0 =	sadd.s32 $0x8F2B, s0  }
0xcb: {  	[sflag:s0] =	ssyncadd.remote.s32 $0x1  }
0xcc: {  	_ =	sfence.sel $0xFFFF  }
0xcd: {  	[dreg:$0x0] =	wrdreg $0xFFFFFFFF;
	(pc) =	sbr.abs _section_cstart, $3  }
0xce: {  	[dreg:$0x1] =	wrdreg $0xFFFFFFFF  }
0xcf: {  	_ =	task.clear_ibuf [dreg:s22], $0x2FFFF;
	_ =	strace $0x9FFFFFFF  }
0xd0: {  	(tm) =	ssettm $0x7FFFFFFF  }
0xd1: {  	_ =	shalt  }
tec
execute0_lowered:
.L_overlay_start_1:
0x0: {  	(tag) =	ssettag $0x1  }
0x1: {  	s3 =	rddreg [dreg:$0x0]  }
0x2: {  	s0 =	rddreg [dreg:$0x1];
	s1 =	simm.s32 $0x0  }
0x3: {  	s4 =	srdreg.scid;
	s2 =	stileid.u32;
	s11 =	simm.s32 $0x1  }
0x4: {  	s12 =	simm.s32 $0x0;
	[smem:$0x7FF] =	sst s1;
	s7 =	sadd.s32 $0x242400, s3  }
0x5: {  	s4 =	sand.u32 $0x1, s4;
	s6 =	sshll.u32 s2, $0xD;
	s8 =	sadd.s32 $0x2400, s3  }
0x6: {  	s3 =	sadd.s32 $0x22400, s3;
	s5 =	ssub.s32 $0x2, s4;
	s4 =	sshll.u32 s4, $0xC  }
0x7: {  	_ =	strace $0x80000050;
	s9 =	sshrl.u32 s5, $0x1;
	s6 =	sor.u32 s4, s6  }
0x8: {  	s9 =	ssub.s32 s5, s9;
	s10 =	sor.u32 $0x800, s6;
	s4 =	sadd.s32 s8, s6  }
0x9: {  	s5 =	sadd.s32 s7, s6;
	s6 =	sadd.s32 s8, s10;
	s7 =	sadd.s32 s7, s10  }
0xa: {  	s8 =	smax.u32 s9, $0x1;
	s9 =	simm.s32 $0x2;
	s10 =	simm.s32 $0x4000  }
.LBB2_1:
0xb: {  	[tilespmem:s1], [sflag:$0x2] =	stream.linear.gather [hbm4b:s4+s1], $0x4000, $0x38;
	[tilespmem:$0x8000] =	vst v63  }
0xc: {  	_ =	swait.ge [sflag:s9], $0x4000  }
0xd: {  	[sflag:s9] =	ssyncset.done $0x0  }
0xe: {  	[sflag:s9] =	ssyncadd.s32 $0xFFFFC000  }
0xf: {  	[tilespmem:s10], [sflag:$0x2] =	stream.linear.gather [hbm4b:s5+s1], $0x4000, $0x38;
	[tilespmem:$0x8000] =	vst v63  }
0x10: {  	_ =	swait.ge [sflag:s9], $0x4000  }
0x11: {  	s13 =	simm.s32 $0x200;
	s15 =	simm.s32 $0x0;
	[sflag:s9] =	ssyncset.done $0x0  }
0x12: {  	s16 =	simm.s32 $0x4000;
	s14 =	simm.s32 $0x80;
	[sflag:s9] =	ssyncadd.s32 $0xFFFFC000  }
.LBB2_2:
0x13: {  	[hbm4b:s3+s14] =	stream.indirect.scatter [tilespmem:s15], [sflag:$0x1], $0x1, s16, s14, $0xb8;
	[tilespmem:$0x8000] =	vst v63  }
0x14: {  	s15 =	smov.u32 s13;
	p0 =	sne.s32 s13, $0xFE00  }
.Ltmp0:
0x15: {  	s13 =	sadd.s32 $0x200, s13;
	(pc) =	sbr.rel @p0 .LBB2_2-.Ltmp0, $3  }
0x16: {  	_ =	sdelay $0x1  }
0x17: {  	s15 =	sshra.s32 s15, $0x2  }
0x18: {  	s16 =	sadd.s32 $0x4000, s15  }
0x19: {  	[hbm4b:s3+s14] =	stream.indirect.scatter [tilespmem:s15], [sflag:$0x1], $0x1, s16, s14, $0xb8;
	[tilespmem:$0x8000] =	vst v63  }
0x1a: {  	_ =	swait.ge [sflag:s11], $0x80  }
0x1b: {  	s13 =	simm.s32 $0x7F;
	[sflag:s11] =	ssyncset.done $0x0  }
.LBB2_4:
0x1c: {  	p0 =	sne.s32 s13, $0x1;
	s13 =	sadd.s32 $0xFFFFFFFF, s13;
	[sflag:s11] =	ssyncadd.s32 $0xFFFFFF80  }
.Ltmp1:
0x1d: {  	(pc) =	sbr.rel @p0 .LBB2_4-.Ltmp1, $3  }
0x1e: {  	_ =	sdelay $0x1  }
0x1f: {  	_ =	swait.ge [sflag:s11], $0x80  }
0x20: {  	[sflag:s11] =	ssyncset.done $0x0  }
0x21: {  	[sflag:s11] =	ssyncadd.s32 $0xFFFFFF80;
	s13 =	simm.s32 $0x0  }
0x22: {  	[tilespmem:s13], [sflag:$0x2] =	stream.linear.gather [hbm4b:s6+s13], $0x4000, $0x38;
	[tilespmem:$0x8000] =	vst v63  }
0x23: {  	_ =	swait.ge [sflag:s9], $0x4000  }
0x24: {  	[sflag:s9] =	ssyncset.done $0x0  }
0x25: {  	[sflag:s9] =	ssyncadd.s32 $0xFFFFC000  }
0x26: {  	[tilespmem:s10], [sflag:$0x2] =	stream.linear.gather [hbm4b:s7+s13], $0x4000, $0x38;
	[tilespmem:$0x8000] =	vst v63  }
0x27: {  	_ =	swait.ge [sflag:s9], $0x4000  }
0x28: {  	s15 =	simm.s32 $0x0;
	s16 =	simm.s32 $0x4000;
	[sflag:s9] =	ssyncset.done $0x0  }
0x29: {  	s14 =	simm.s32 $0x80;
	s13 =	simm.s32 $0x200;
	[sflag:s9] =	ssyncadd.s32 $0xFFFFC000  }
.LBB2_6:
0x2a: {  	[hbm4b:s3+s14] =	stream.indirect.scatter [tilespmem:s15], [sflag:$0x1], $0x1, s16, s14, $0xb8;
	[tilespmem:$0x8000] =	vst v63  }
0x2b: {  	s15 =	smov.u32 s13;
	p0 =	sne.s32 s13, $0xFE00  }
.Ltmp2:
0x2c: {  	s13 =	sadd.s32 $0x200, s13;
	(pc) =	sbr.rel @p0 .LBB2_6-.Ltmp2, $3  }
0x2d: {  	_ =	sdelay $0x1  }
0x2e: {  	s15 =	sshra.s32 s15, $0x2  }
0x2f: {  	s16 =	sadd.s32 $0x4000, s15  }
0x30: {  	[hbm4b:s3+s14] =	stream.indirect.scatter [tilespmem:s15], [sflag:$0x1], $0x1, s16, s14, $0xb8;
	[tilespmem:$0x8000] =	vst v63  }
0x31: {  	_ =	swait.ge [sflag:s11], $0x80  }
0x32: {  	s13 =	simm.s32 $0x7F;
	[sflag:s11] =	ssyncset.done $0x0  }
.LBB2_8:
0x33: {  	p0 =	sne.s32 s13, $0x1;
	s13 =	sadd.s32 $0xFFFFFFFF, s13;
	[sflag:s11] =	ssyncadd.s32 $0xFFFFFF80  }
.Ltmp3:
0x34: {  	(pc) =	sbr.rel @p0 .LBB2_8-.Ltmp3, $3  }
0x35: {  	_ =	sdelay $0x1  }
0x36: {  	_ =	swait.ge [sflag:s11], $0x80  }
0x37: {  	[sflag:s11] =	ssyncset.done $0x0  }
0x38: {  	s12 =	sadd.s32 $0x1, s12  }
0x39: {  	p0 =	sne.s32 s12, s8  }
.Ltmp4:
0x3a: {  	_ = 	snop;
	(pc) =	sbr.rel @p0 .LBB2_1-.Ltmp4, $2  }
0x3b: {  	_ =	sdelay $0x2  }
0x3c: {  	[sflag:s11] =	ssyncadd.s32 $0xFFFFFF80  }
0x3d: {  	_ =	sfence.sel $0x180000  }
0x3e: {  	[bflag:$0x0] =	sbarrier.arrive $0xFFFF  }
0x3f: {  	p0 =	sne.s32 s2, $0x0;
	_ =	strace $0x90000050  }
0x40: {  	s0 =	sadd.s32 @!p0 $0x100000, s0;
	[bflag:$0x2] =	sbarrier.arrive $0xFFFF  }
0x41: {  	[sflag:s0] =	ssyncadd.tile.s32 @!p0 $0x1;
	_ =	shalt  }
.Lfunc_end2:
_tile_overlayer_lowered:
.L_overlay_start_2:
0x42: {  	(tag) =	ssettag $0x2  }
0x43: {  	s0 =	rddreg [dreg:$0x0];
	s2 =	stileid.u32  }
0x44: {  	s1 =	rddreg [dreg:$0x1];
	p0 =	sne.s32 s2, $0x0  }
0x45: {  	s3 =	rddreg [dreg:$0x2];
	[bflag:$0x3] =	sbarrier.arrive $0xFFFF;
	s2 =	simm.s32 @!p0 $0x1C02  }
0x46: {  	[timem:s3], [sflag:s2] =	dma.local @!p0 [hbm:s0], s1  }
0x47: {  	s0 =	simm.s32 @!p0 $0x2  }
0x48: {  	_ =	swait.ge @!p0 [sflag:s0], s1  }
0x49: {  	s1 =	ssub.s32 @!p0 $0x0, s1;
	[sflag:s0] =	ssyncset.done @!p0 $0x0  }
0x4a: {  	[sflag:s0] =	ssyncadd.s32 @!p0 s1  }
0x4b: {  	[bflag:$0x3] =	sbarrier.arrive $0xFFFF  }
0x4c: {  	_ =	shalt  }

// kernel: kernel.18.cloned.1.call-start
scs
__scs_entry_jumppad:
0x0: {  	(pc) =	sbr.rel $0x88, $3  }
0x1: {  	(tag) =	ssettag $0x0;
	lr =	simm.s32 $0x1  }
0x2: {  	[smem:$0x3F9C] =	sst lr;
	_ =	strace $0xD0000000  }
0x3: {  	_ = 	snop  }
0x4: {  	_ = 	snop  }
0x5: {  	_ = 	snop  }
0x6: {  	_ = 	snop  }
0x7: {  	_ = 	snop  }
__scs_overlays_trampoline_lowered:
0x8: {  	[smem:$0x3FAB] =	sst s0  }
0x9: {  	[smem:$0x3FAC] =	sst s1  }
0xa: {  	[smem:$0x3FAD] =	sst s2  }
0xb: {  	[smem:$0x3FAE] =	sst s3  }
0xc: {  	[smem:$0x3FAF] =	sst s4  }
0xd: {  	[smem:$0x3FB0] =	sst s5  }
0xe: {  	[smem:$0x3FB1] =	sst s6  }
0xf: {  	[smem:$0x3FB2] =	sst s7  }
0x10: {  	[smem:$0x3FB3] =	sst s8  }
0x11: {  	[smem:$0x3FB4] =	sst s9;
	s0 =	simm.s32 @!p0 $0x0  }
0x12: {  	s1 =	sld [smem:$0x3F9A];
	s0 =	simm.s32 @p0 $0x1  }
0x13: {  	[smem:$0x3FB5] =	sst s0;
	s0 =	simm.s32 @!p1 $0x0  }
0x14: {  	s2 =	sld [smem:$0x3F99];
	s0 =	simm.s32 @p1 $0x1  }
0x15: {  	[smem:$0x3FB6] =	sst s0;
	s0 =	simm.s32 @!p2 $0x0  }
0x16: {  	s3 =	sld [smem:$0x3FDB];
	s0 =	simm.s32 @p2 $0x1  }
0x17: {  	s4 =	simm.s32 $0x1BF5;
	[smem:$0x3FB8] =	sst s0  }
0x18: {  	s0 =	sld [smem:$0x3F9B];
	_ =	swait.ge [sflag:s4], $0x0  }
0x19: {  	s7 =	sld [smem:$0x3F9C]  }
0x1a: {  	s8 =	sadd.s32 $0xFFFFE003, lr  }
0x1b: {  	s9 =	sadd.s32 $0xFFFFFEF7, lr;
	s5 =	simm.s32 $0xFFFFFFFF;
	p2 =	slt.u32 s8, $0xFFFFF086  }
0x1c: {  	p1 =	slt.u32 s9, $0xF7A;
	s5 =	simm.s32 @!p2 $0x0  }
0x1d: {  	s5 =	simm.s32 @p1 $0x1;
	p0 =	seq.s32 s7, s2  }
0x1e: {  	s7 =	smul.u32 @!p0 $0xF7A, s2;
	p2 =	seq.s32 @!p0 s5, $0x0  }
0x1f: {  	s9 =	smul.u32 $0xF7A, s1;
	s8 =	simm.s32 @!p0 $0x1BF5;
	p2 =	por !p2, p0  }
0x20: {  	[sflag:s8] =	ssyncset.s32 @!p0 $0xFFFFF086;
	s6 =	sadd.s32 @!p0 s3, s7;
	s7 =	simm.s32 @!p0 $0x108  }
0x21: {  	s3 =	sadd.s32 s3, s9;
	s6 =	sadd.s32 @!p0 $0x88, s6;
	s7 =	simm.s32 @p2 $0x1082  }
0x22: {  	[simem:s7], [sflag:s8] =	dma.local @!p0 [hbm:s6], $0xF7A  }
0x23: {  	s9 =	sor.u32 $0xD0000000, s2;
	s6 =	simm.s32 $0x108;
	_ =	swait.ge @!p0 [sflag:s8], $0x0  }
0x24: {  	s3 =	sadd.s32 $0x88, s3;
	s6 =	simm.s32 @!p1 $0x1082;
	[sflag:s4] =	ssyncset.s32 $0xFFFFF086  }
0x25: {  	[simem:s6], [sflag:s4] =	dma.local [hbm:s3], $0xF7A  }
0x26: {  	[smem:$0x3F9C] =	sst s1;
	(tag) =	ssettag s2;
	_ =	strace s9  }
0x27: {  	s1 =	sld [smem:$0x3FAC]  }
0x28: {  	s2 =	sld [smem:$0x3FAD]  }
0x29: {  	s4 =	sld [smem:$0x3FAF]  }
0x2a: {  	p0 =	seq.s32 s5, $0x0;
	s5 =	sld [smem:$0x3FB0]  }
0x2b: {  	s6 =	sld [smem:$0x3FB1]  }
0x2c: {  	s7 =	sld [smem:$0x3FB2]  }
0x2d: {  	s3 =	simm.s32 $0x108;
	s8 =	sld [smem:$0x3FB3]  }
0x2e: {  	s3 =	simm.s32 @!p0 $0x1082;
	s9 =	sld [smem:$0x3FB4]  }
0x2f: {  	lr =	sadd.s32 s0, s3;
	s0 =	sld [smem:$0x3FAB]  }
0x30: {  	s3 =	sld [smem:$0x3FAE]  }
0x31: {  	[smem:$0x3FB7] =	sst s10  }
0x32: {  	s10 =	sld [smem:$0x3FB5];
	_ =	sdelay $0x3  }
0x33: {  	p0 =	seq.s32 s10, $0x1;
	s10 =	sld [smem:$0x3FB7];
	_ =	sdelay $0x3  }
0x34: {  	[smem:$0x3FB7] =	sst s10  }
0x35: {  	s10 =	sld [smem:$0x3FB6];
	_ =	sdelay $0x3  }
0x36: {  	p1 =	seq.s32 s10, $0x1;
	s10 =	sld [smem:$0x3FB7];
	_ =	sdelay $0x3  }
0x37: {  	[smem:$0x3FB7] =	sst s10  }
0x38: {  	s10 =	sld [smem:$0x3FB8]  }
0x39: {  	_ = 	snop;
	(pc) =	sbr.ind lr, $3  }
0x3a: {  	_ = 	snop  }
0x3b: {  	_ = 	snop  }
0x3c: {  	p2 =	seq.s32 s10, $0x1;
	s10 =	sld [smem:$0x3FB7]  }
0x3d: {  	_ =	shalt  }
0x3e: {  	_ =	shalt  }
0x3f: {  	_ =	shalt  }
0x40: {  	_ =	shalt  }
0x41: {  	_ =	shalt  }
0x42: {  	_ =	shalt  }
0x43: {  	_ =	shalt  }
0x44: {  	_ =	shalt  }
0x45: {  	_ =	shalt  }
0x46: {  	_ =	shalt  }
0x47: {  	_ =	shalt  }
0x48: {  	_ =	shalt  }
0x49: {  	_ =	shalt  }
0x4a: {  	_ =	shalt  }
0x4b: {  	_ =	shalt  }
0x4c: {  	_ =	shalt  }
0x4d: {  	_ =	shalt  }
0x4e: {  	_ =	shalt  }
0x4f: {  	_ =	shalt  }
0x50: {  	_ =	shalt  }
0x51: {  	_ =	shalt  }
0x52: {  	_ =	shalt  }
0x53: {  	_ =	shalt  }
0x54: {  	_ =	shalt  }
0x55: {  	_ =	shalt  }
0x56: {  	_ =	shalt  }
0x57: {  	_ =	shalt  }
0x58: {  	_ =	shalt  }
0x59: {  	_ =	shalt  }
0x5a: {  	_ =	shalt  }
0x5b: {  	_ =	shalt  }
0x5c: {  	_ =	shalt  }
0x5d: {  	_ =	shalt  }
0x5e: {  	_ =	shalt  }
0x5f: {  	_ =	shalt  }
0x60: {  	_ =	shalt  }
0x61: {  	_ =	shalt  }
0x62: {  	_ =	shalt  }
0x63: {  	_ =	shalt  }
0x64: {  	_ =	shalt  }
0x65: {  	_ =	shalt  }
0x66: {  	_ =	shalt  }
0x67: {  	_ =	shalt  }
0x68: {  	_ =	shalt  }
0x69: {  	_ =	shalt  }
0x6a: {  	_ =	shalt  }
0x6b: {  	_ =	shalt  }
0x6c: {  	_ =	shalt  }
0x6d: {  	_ =	shalt  }
0x6e: {  	_ =	shalt  }
0x6f: {  	_ =	shalt  }
0x70: {  	_ =	shalt  }
0x71: {  	_ =	shalt  }
0x72: {  	_ =	shalt  }
0x73: {  	_ =	shalt  }
0x74: {  	_ =	shalt  }
0x75: {  	_ =	shalt  }
0x76: {  	_ =	shalt  }
0x77: {  	_ =	shalt  }
0x78: {  	_ =	shalt  }
0x79: {  	_ =	shalt  }
0x7a: {  	_ =	shalt  }
0x7b: {  	_ =	shalt  }
0x7c: {  	_ =	shalt  }
0x7d: {  	_ =	shalt  }
0x7e: {  	_ =	shalt  }
0x7f: {  	_ =	shalt  }
0x80: {  	_ =	shalt  }
0x81: {  	_ =	shalt  }
0x82: {  	_ =	shalt  }
0x83: {  	_ =	shalt  }
0x84: {  	_ =	shalt  }
0x85: {  	_ =	shalt  }
0x86: {  	_ =	shalt  }
0x87: {  	_ =	shalt  }
.Lfunc_end0:
.L_simem_size_0:
called_computation.4_lowered:
.L_overlay_start_0:
0x88: {  	s2 =	sld [smem:$0x3FD9]  }
0x89: {  	s3 =	sld [smem:$0x3FFE];
	_ =	sdelay $0x1  }
0x8a: {  	s1 =	srdreg.scid  }
0x8b: {  	s0 =	sand.u32 $0x1, s1  }
0x8c: {  	s17 =	sshll.u32 s0, $0xA;
	s2 =	sadd.s32 s3, s2  }
0x8d: {  	s2 =	sadd.s32 s2, s17  }
0x8e: {  	[smem:$0x3FC3] =	sst s2  }
0x8f: {  	_ = 	snop  }
0x90: {  	s2 =	sld [smem:$0x3FC5]  }
0x91: {  	s18 =	sld [smem:$0x3FD0];
	(tm) =	ssettm $0x1  }
0x92: {  	s4 =	sld [smem:$0x3FFB];
	_ =	sdelay $0x3  }
0x93: {  	_ =	strace s4  }
0x94: {  	s4 =	sld [smem:$0x3FFC];
	_ =	sdelay $0x3  }
0x95: {  	_ =	strace s4  }
0x96: {  	s4 =	sld [smem:$0x3FFD];
	_ =	sdelay $0x3  }
0x97: {  	_ =	strace s4  }
0x98: {  	_ =	strace $0x8FFFFFFF  }
0x99: {  	s19 =	sld [smem:$0x3FDB];
	_ =	sdelay $0x1  }
0x9a: {  	s5 =	simm.s32 $_scs_section_size  }
0x9b: {  	s6 =	simm.s32 $_size__tile_overlayer_lowered;
	s7 =	simm.s32 $_tile_overlayer_lowered  }
0x9c: {  	s22 =	simm.s32 $0x1BFF;
	s21 =	sshll.u32 s7, $0x1;
	s4 =	sadd.s32 s5, s19  }
0x9d: {  	s8 =	simm.s32 $0x0;
	s20 =	sshll.u32 s6, $0x1;
	s6 =	sadd.s32 s21, s4  }
0x9e: {  	[timem:s8], [sflag:s22] =	dma.local [hbm:s6], s20  }
0x9f: {  	_ =	swait.ge [sflag:s22], s20  }
0xa0: {  	s5 =	ssub.s32 $0x0, s20;
	[sflag:s22] =	ssyncset.done $0x0  }
0xa1: {  	[sflag:s22] =	ssyncadd.s32 s5;
	_ =	sdelay $0x1  }
0xa2: {  	s23 =	simm.s32 $0x1B8B  }
0xa3: {  	_ =	swait.ge [sflag:s23], $0x1  }
0xa4: {  	[sflag:s23] =	ssyncset.done $0x0  }
0xa5: {  	s25 =	simm.s32 $0x1B8E;
	s24 =	sld [smem:$0x3FFE];
	[sflag:s23] =	ssyncadd.s32 $0xFFFFFFFF  }
0xa6: {  	s26 =	simm.s32 $execute0_lowered;
	[smem:$0x3FD2] =	sst s25  }
0xa7: {  	s6 =	sshll.u32 s26, $0x1;
	_ =	strace $0x80000052;
	[dreg:$0x1] =	wrdreg $0xFFFFFFFF  }
0xa8: {  	s28 =	simm.s32 $_size_execute0_lowered;
	s4 =	sadd.s32 s4, s6;
	[dreg:$0x0] =	wrdreg $0x0  }
0xa9: {  	s6 =	sshll.u32 s28, $0x1;
	[dreg:$0x2] =	wrdreg s4  }
0xaa: {  	[dreg:$0x3] =	wrdreg s6  }
0xab: {  	[dreg:$0x4] =	wrdreg $0xC0  }
0xac: {  	_ =	task [dreg:s8], $0x5FFFF  }
0xad: {  	[dreg:$0x1] =	wrdreg $0xFFFFFFFF  }
0xae: {  	[dreg:$0x0] =	wrdreg $0x60  }
0xaf: {  	[dreg:$0x2] =	wrdreg s2  }
0xb0: {  	[dreg:$0x3] =	wrdreg s24  }
0xb1: {  	[dreg:$0x4] =	wrdreg s18  }
0xb2: {  	[dreg:$0x5] =	wrdreg $0x9  }
0xb3: {  	_ =	task.clear_ibuf [dreg:s8], $0x6FFFF;
	_ =	strace $0x90000052  }
0xb4: {  	s29 =	simm.s32 $0x9;
	_ =	strace $0x80000054  }
0xb5: {  	_ =	swait.ge [sflag:s29], $0x1  }
0xb6: {  	[sflag:s29] =	ssyncadd.s32 $0xFFFFFFFF  }
0xb7: {  	_ =	strace $0x90000054  }
0xb8: {  	_ =	sfence  }
0xb9: {  	s30 =	sld [smem:$0x0];
	_ =	sdelay $0x2  }
0xba: {  	s31 =	sshll.u32 s1, $0xD;
	s1 =	sshrl.u32 s1, $0x2  }
0xbb: {  	s3 =	sand.u32 $0x4000, s31;
	s1 =	sadd.s32 s1, s30  }
0xbc: {  	s0 =	sor.u32 s3, s0;
	s1 =	sshll.u32 s1, $0x11  }
0xbd: {  	s0 =	sor.u32 s1, s0  }
0xbe: {  	s0 =	sadd.s32 $0x8F2B, s0  }
0xbf: {  	[sflag:s0] =	ssyncadd.remote.s32 $0x1  }
0xc0: {  	_ =	sfence.sel $0xFFFF  }
0xc1: {  	[dreg:$0x0] =	wrdreg $0xFFFFFFFF;
	(pc) =	sbr.abs _section_cstart, $3  }
0xc2: {  	[dreg:$0x1] =	wrdreg $0xFFFFFFFF  }
0xc3: {  	_ =	task.clear_ibuf [dreg:s8], $0x2FFFF;
	_ =	strace $0x9FFFFFFF  }
0xc4: {  	(tm) =	ssettm $0x7FFFFFFF  }
0xc5: {  	_ =	shalt  }
tec
execute0_lowered:
.L_overlay_start_1:
0x0: {  	(tag) =	ssettag $0x1  }
0x1: {  	s5 =	rddreg [dreg:$0x0]  }
0x2: {  	s6 =	rddreg [dreg:$0x1]  }
0x3: {  	s1 =	rddreg [dreg:$0x2]  }
0x4: {  	s0 =	rddreg [dreg:$0x3];
	s3 =	simm.s32 $0x0;
	s4 =	srdreg.scid  }
0x5: {  	s2 =	stileid.u32;
	s10 =	simm.s32 $0x1;
	s11 =	simm.s32 $0x0  }
0x6: {  	[smem:$0x7FF] =	sst s3;
	s4 =	sand.u32 $0x1, s4;
	s8 =	sshll.u32 s2, $0xD  }
0x7: {  	s7 =	ssub.s32 $0x2, s4;
	s4 =	sshll.u32 s4, $0xC;
	_ =	strace $0x80000053  }
0x8: {  	s9 =	sshrl.u32 s7, $0x1;
	s8 =	sor.u32 s4, s8;
	s4 =	sadd.s32 $0x462400, s6  }
0x9: {  	s6 =	sadd.s32 $0x22400, s6;
	s9 =	ssub.s32 s7, s9;
	s5 =	sadd.s32 s5, s8  }
0xa: {  	s7 =	sadd.s32 $0x800, s5;
	s8 =	smax.u32 s9, $0x1;
	s9 =	simm.s32 $0x2  }
.LBB2_1:
0xb: {  	[tilespmem:s3], [sflag:$0x2] =	stream.linear.gather [hbm4b:s5+s3], $0x4000, $0x38;
	[tilespmem:$0xC000] =	vst v63  }
0xc: {  	_ =	swait.ge [sflag:s9], $0x4000  }
0xd: {  	s13 =	simm.s32 $0x200;
	s14 =	simm.s32 $0x0;
	[sflag:s9] =	ssyncset.done $0x0  }
0xe: {  	s15 =	simm.s32 $0x4000;
	s12 =	simm.s32 $0x80;
	[sflag:s9] =	ssyncadd.s32 $0xFFFFC000  }
.LBB2_2:
0xf: {  	[tilespmem:s15], [sflag:$0x1] =	stream.indirect.gather [hbm4b:s6+s12], $0x1, s14, s12, $0xb8;
	[tilespmem:$0xC000] =	vst v63  }
0x10: {  	s14 =	smov.u32 s13;
	p0 =	sne.s32 s13, $0xFE00  }
.Ltmp0:
0x11: {  	s13 =	sadd.s32 $0x200, s13;
	(pc) =	sbr.rel @p0 .LBB2_2-.Ltmp0, $3  }
0x12: {  	_ =	sdelay $0x1  }
0x13: {  	s14 =	sshra.s32 s14, $0x2  }
0x14: {  	s15 =	sadd.s32 $0x4000, s14  }
0x15: {  	[tilespmem:s15], [sflag:$0x1] =	stream.indirect.gather [hbm4b:s6+s12], $0x1, s14, s12, $0xb8;
	[tilespmem:$0xC000] =	vst v63  }
.LBB2_4:
0x16: {  	p0 =	sne.s32 s12, $0x1  }
.Ltmp1:
0x17: {  	_ = 	snop;
	(pc) =	sbr.rel @p0 .LBB2_4-.Ltmp1, $4  }
0x18: {  	_ = 	snop  }
0x19: {  	_ =	swait.ge [sflag:s10], $0x80  }
0x1a: {  	[sflag:s10] =	ssyncset.done $0x0  }
0x1b: {  	s12 =	sadd.s32 $0xFFFFFFFF, s12;
	[sflag:s10] =	ssyncadd.s32 $0xFFFFFF80  }
0x1c: {  	s13 =	simm.s32 $0x200  }
0x1d: {  	s14 =	simm.s32 $0x8000;
	s15 =	simm.s32 $0x4000;
	s12 =	simm.s32 $0x80  }
.LBB2_6:
0x1e: {  	[tilespmem:s14], [sflag:$0x1] =	stream.indirect.gather [hbm4b:s4+s12], $0x1, s15, s12, $0xb8;
	[tilespmem:$0xC000] =	vst v63  }
0x1f: {  	s14 =	smov.u32 s13;
	p0 =	sne.s32 s13, $0xFE00  }
.Ltmp2:
0x20: {  	s13 =	sadd.s32 $0x200, s13;
	(pc) =	sbr.rel @p0 .LBB2_6-.Ltmp2, $3  }
0x21: {  	_ =	sdelay $0x1  }
0x22: {  	s15 =	sshra.s32 s14, $0x2  }
0x23: {  	s14 =	sadd.s32 $0x8000, s15;
	s15 =	sadd.s32 $0x4000, s15  }
0x24: {  	[tilespmem:s14], [sflag:$0x1] =	stream.indirect.gather [hbm4b:s4+s12], $0x1, s15, s12, $0xb8;
	[tilespmem:$0xC000] =	vst v63  }
.LBB2_8:
0x25: {  	p0 =	sne.s32 s12, $0x1  }
.Ltmp3:
0x26: {  	_ = 	snop;
	(pc) =	sbr.rel @p0 .LBB2_8-.Ltmp3, $4  }
0x27: {  	_ = 	snop  }
0x28: {  	_ =	swait.ge [sflag:s10], $0x80  }
0x29: {  	[sflag:s10] =	ssyncset.done $0x0  }
0x2a: {  	s12 =	sadd.s32 $0xFFFFFFFF, s12;
	[sflag:s10] =	ssyncadd.s32 $0xFFFFFF80  }
0x2b: {  	s12 =	simm.s32 $0x200  }
0x2c: {  	s14 =	simm.s32 $0x0;
	s15 =	simm.s32 $0x8000;
	s13 =	simm.s32 $0x80  }
.LBB2_10:
0x2d: {  	[hbm4b:s1+s13] =	stream.indirect.scatter [tilespmem:s15], [sflag:$0x1], $0x1, s14, s13, $0xb8;
	[tilespmem:$0xC000] =	vst v63  }
0x2e: {  	s14 =	smov.u32 s12;
	p0 =	sne.s32 s12, $0xFE00  }
.Ltmp4:
0x2f: {  	s12 =	sadd.s32 $0x200, s12;
	(pc) =	sbr.rel @p0 .LBB2_10-.Ltmp4, $3  }
0x30: {  	_ =	sdelay $0x1  }
0x31: {  	s14 =	sshra.s32 s14, $0x2  }
0x32: {  	s15 =	sadd.s32 $0x8000, s14  }
0x33: {  	[hbm4b:s1+s13] =	stream.indirect.scatter [tilespmem:s15], [sflag:$0x1], $0x1, s14, s13, $0xb8;
	[tilespmem:$0xC000] =	vst v63  }
0x34: {  	_ =	swait.ge [sflag:s10], $0x80  }
0x35: {  	s12 =	simm.s32 $0x7F;
	[sflag:s10] =	ssyncset.done $0x0  }
.LBB2_12:
0x36: {  	p0 =	sne.s32 s12, $0x1;
	s12 =	sadd.s32 $0xFFFFFFFF, s12;
	[sflag:s10] =	ssyncadd.s32 $0xFFFFFF80  }
.Ltmp5:
0x37: {  	(pc) =	sbr.rel @p0 .LBB2_12-.Ltmp5, $3  }
0x38: {  	_ =	sdelay $0x1  }
0x39: {  	_ =	swait.ge [sflag:s10], $0x80  }
0x3a: {  	[sflag:s10] =	ssyncset.done $0x0  }
0x3b: {  	[sflag:s10] =	ssyncadd.s32 $0xFFFFFF80;
	s12 =	simm.s32 $0x0  }
0x3c: {  	[tilespmem:s12], [sflag:$0x2] =	stream.linear.gather [hbm4b:s7+s12], $0x4000, $0x38;
	[tilespmem:$0xC000] =	vst v63  }
0x3d: {  	_ =	swait.ge [sflag:s9], $0x4000  }
0x3e: {  	s13 =	simm.s32 $0x200;
	s14 =	simm.s32 $0x0;
	[sflag:s9] =	ssyncset.done $0x0  }
0x3f: {  	s15 =	simm.s32 $0x4000;
	s12 =	simm.s32 $0x80;
	[sflag:s9] =	ssyncadd.s32 $0xFFFFC000  }
.LBB2_14:
0x40: {  	[tilespmem:s15], [sflag:$0x1] =	stream.indirect.gather [hbm4b:s6+s12], $0x1, s14, s12, $0xb8;
	[tilespmem:$0xC000] =	vst v63  }
0x41: {  	s14 =	smov.u32 s13;
	p0 =	sne.s32 s13, $0xFE00  }
.Ltmp6:
0x42: {  	s13 =	sadd.s32 $0x200, s13;
	(pc) =	sbr.rel @p0 .LBB2_14-.Ltmp6, $3  }
0x43: {  	_ =	sdelay $0x1  }
0x44: {  	s14 =	sshra.s32 s14, $0x2  }
0x45: {  	s15 =	sadd.s32 $0x4000, s14  }
0x46: {  	[tilespmem:s15], [sflag:$0x1] =	stream.indirect.gather [hbm4b:s6+s12], $0x1, s14, s12, $0xb8;
	[tilespmem:$0xC000] =	vst v63  }
.LBB2_16:
0x47: {  	p0 =	sne.s32 s12, $0x1  }
.Ltmp7:
0x48: {  	_ = 	snop;
	(pc) =	sbr.rel @p0 .LBB2_16-.Ltmp7, $4  }
0x49: {  	_ = 	snop  }
0x4a: {  	_ =	swait.ge [sflag:s10], $0x80  }
0x4b: {  	[sflag:s10] =	ssyncset.done $0x0  }
0x4c: {  	s12 =	sadd.s32 $0xFFFFFFFF, s12;
	[sflag:s10] =	ssyncadd.s32 $0xFFFFFF80  }
0x4d: {  	s13 =	simm.s32 $0x200  }
0x4e: {  	s14 =	simm.s32 $0x8000;
	s15 =	simm.s32 $0x4000;
	s12 =	simm.s32 $0x80  }
.LBB2_18:
0x4f: {  	[tilespmem:s14], [sflag:$0x1] =	stream.indirect.gather [hbm4b:s4+s12], $0x1, s15, s12, $0xb8;
	[tilespmem:$0xC000] =	vst v63  }
0x50: {  	s14 =	smov.u32 s13;
	p0 =	sne.s32 s13, $0xFE00  }
.Ltmp8:
0x51: {  	s13 =	sadd.s32 $0x200, s13;
	(pc) =	sbr.rel @p0 .LBB2_18-.Ltmp8, $3  }
0x52: {  	_ =	sdelay $0x1  }
0x53: {  	s15 =	sshra.s32 s14, $0x2  }
0x54: {  	s14 =	sadd.s32 $0x8000, s15;
	s15 =	sadd.s32 $0x4000, s15  }
0x55: {  	[tilespmem:s14], [sflag:$0x1] =	stream.indirect.gather [hbm4b:s4+s12], $0x1, s15, s12, $0xb8;
	[tilespmem:$0xC000] =	vst v63  }
.LBB2_20:
0x56: {  	p0 =	sne.s32 s12, $0x1  }
.Ltmp9:
0x57: {  	_ = 	snop;
	(pc) =	sbr.rel @p0 .LBB2_20-.Ltmp9, $4  }
0x58: {  	_ = 	snop  }
0x59: {  	_ =	swait.ge [sflag:s10], $0x80  }
0x5a: {  	[sflag:s10] =	ssyncset.done $0x0  }
0x5b: {  	s12 =	sadd.s32 $0xFFFFFFFF, s12;
	[sflag:s10] =	ssyncadd.s32 $0xFFFFFF80  }
0x5c: {  	s12 =	simm.s32 $0x200  }
0x5d: {  	s14 =	simm.s32 $0x0;
	s15 =	simm.s32 $0x8000;
	s13 =	simm.s32 $0x80  }
.LBB2_22:
0x5e: {  	[hbm4b:s1+s13] =	stream.indirect.scatter [tilespmem:s15], [sflag:$0x1], $0x1, s14, s13, $0xb8;
	[tilespmem:$0xC000] =	vst v63  }
0x5f: {  	s14 =	smov.u32 s12;
	p0 =	sne.s32 s12, $0xFE00  }
.Ltmp10:
0x60: {  	s12 =	sadd.s32 $0x200, s12;
	(pc) =	sbr.rel @p0 .LBB2_22-.Ltmp10, $3  }
0x61: {  	_ =	sdelay $0x1  }
0x62: {  	s14 =	sshra.s32 s14, $0x2  }
0x63: {  	s15 =	sadd.s32 $0x8000, s14  }
0x64: {  	[hbm4b:s1+s13] =	stream.indirect.scatter [tilespmem:s15], [sflag:$0x1], $0x1, s14, s13, $0xb8;
	[tilespmem:$0xC000] =	vst v63  }
0x65: {  	_ =	swait.ge [sflag:s10], $0x80  }
0x66: {  	s12 =	simm.s32 $0x7F;
	[sflag:s10] =	ssyncset.done $0x0  }
.LBB2_24:
0x67: {  	p0 =	sne.s32 s12, $0x1;
	s12 =	sadd.s32 $0xFFFFFFFF, s12;
	[sflag:s10] =	ssyncadd.s32 $0xFFFFFF80  }
.Ltmp11:
0x68: {  	(pc) =	sbr.rel @p0 .LBB2_24-.Ltmp11, $3  }
0x69: {  	_ =	sdelay $0x1  }
0x6a: {  	_ =	swait.ge [sflag:s10], $0x80  }
0x6b: {  	[sflag:s10] =	ssyncset.done $0x0  }
0x6c: {  	s11 =	sadd.s32 $0x1, s11  }
0x6d: {  	p0 =	sne.s32 s11, s8  }
.Ltmp12:
0x6e: {  	_ = 	snop;
	(pc) =	sbr.rel @p0 .LBB2_1-.Ltmp12, $2  }
0x6f: {  	_ =	sdelay $0x2  }
0x70: {  	[sflag:s10] =	ssyncadd.s32 $0xFFFFFF80  }
0x71: {  	_ =	sfence.sel $0x180000  }
0x72: {  	[bflag:$0x0] =	sbarrier.arrive $0xFFFF  }
0x73: {  	p0 =	sne.s32 s2, $0x0;
	_ =	strace $0x90000053  }
0x74: {  	s0 =	sadd.s32 @!p0 $0x100000, s0;
	[bflag:$0x2] =	sbarrier.arrive $0xFFFF  }
0x75: {  	[sflag:s0] =	ssyncadd.tile.s32 @!p0 $0x1;
	_ =	shalt  }
.Lfunc_end2:
_tile_overlayer_lowered:
.L_overlay_start_2:
0x76: {  	(tag) =	ssettag $0x2  }
0x77: {  	s0 =	rddreg [dreg:$0x0];
	s2 =	stileid.u32  }
0x78: {  	s1 =	rddreg [dreg:$0x1];
	p0 =	sne.s32 s2, $0x0  }
0x79: {  	s3 =	rddreg [dreg:$0x2];
	[bflag:$0x3] =	sbarrier.arrive $0xFFFF;
	s2 =	simm.s32 @!p0 $0x1C02  }
0x7a: {  	[timem:s3], [sflag:s2] =	dma.local @!p0 [hbm:s0], s1  }
0x7b: {  	s0 =	simm.s32 @!p0 $0x2  }
0x7c: {  	_ =	swait.ge @!p0 [sflag:s0], s1  }
0x7d: {  	s1 =	ssub.s32 @!p0 $0x0, s1;
	[sflag:s0] =	ssyncset.done @!p0 $0x0  }
0x7e: {  	[sflag:s0] =	ssyncadd.s32 @!p0 s1  }
0x7f: {  	[bflag:$0x3] =	sbarrier.arrive $0xFFFF  }
0x80: {  	_ =	shalt  }

// kernel: kernel.9.cloned.1.call-start
scs
__scs_entry_jumppad:
0x0: {  	(pc) =	sbr.rel $0x88, $3  }
0x1: {  	(tag) =	ssettag $0x0;
	lr =	simm.s32 $0x1  }
0x2: {  	[smem:$0x3F9C] =	sst lr;
	_ =	strace $0xD0000000  }
0x3: {  	_ = 	snop  }
0x4: {  	_ = 	snop  }
0x5: {  	_ = 	snop  }
0x6: {  	_ = 	snop  }
0x7: {  	_ = 	snop  }
__scs_overlays_trampoline_lowered:
0x8: {  	[smem:$0x3FAB] =	sst s0  }
0x9: {  	[smem:$0x3FAC] =	sst s1  }
0xa: {  	[smem:$0x3FAD] =	sst s2  }
0xb: {  	[smem:$0x3FAE] =	sst s3  }
0xc: {  	[smem:$0x3FAF] =	sst s4  }
0xd: {  	[smem:$0x3FB0] =	sst s5  }
0xe: {  	[smem:$0x3FB1] =	sst s6  }
0xf: {  	[smem:$0x3FB2] =	sst s7  }
0x10: {  	[smem:$0x3FB3] =	sst s8  }
0x11: {  	[smem:$0x3FB4] =	sst s9;
	s0 =	simm.s32 @!p0 $0x0  }
0x12: {  	s1 =	sld [smem:$0x3F9A];
	s0 =	simm.s32 @p0 $0x1  }
0x13: {  	[smem:$0x3FB5] =	sst s0;
	s0 =	simm.s32 @!p1 $0x0  }
0x14: {  	s2 =	sld [smem:$0x3F99];
	s0 =	simm.s32 @p1 $0x1  }
0x15: {  	[smem:$0x3FB6] =	sst s0;
	s0 =	simm.s32 @!p2 $0x0  }
0x16: {  	s3 =	sld [smem:$0x3FDB];
	s0 =	simm.s32 @p2 $0x1  }
0x17: {  	s4 =	simm.s32 $0x1BF5;
	[smem:$0x3FB8] =	sst s0  }
0x18: {  	s0 =	sld [smem:$0x3F9B];
	_ =	swait.ge [sflag:s4], $0x0  }
0x19: {  	s7 =	sld [smem:$0x3F9C]  }
0x1a: {  	s8 =	sadd.s32 $0xFFFFE003, lr  }
0x1b: {  	s9 =	sadd.s32 $0xFFFFFEF7, lr;
	s5 =	simm.s32 $0xFFFFFFFF;
	p2 =	slt.u32 s8, $0xFFFFF086  }
0x1c: {  	p1 =	slt.u32 s9, $0xF7A;
	s5 =	simm.s32 @!p2 $0x0  }
0x1d: {  	s5 =	simm.s32 @p1 $0x1;
	p0 =	seq.s32 s7, s2  }
0x1e: {  	s7 =	smul.u32 @!p0 $0xF7A, s2;
	p2 =	seq.s32 @!p0 s5, $0x0  }
0x1f: {  	s9 =	smul.u32 $0xF7A, s1;
	s8 =	simm.s32 @!p0 $0x1BF5;
	p2 =	por !p2, p0  }
0x20: {  	[sflag:s8] =	ssyncset.s32 @!p0 $0xFFFFF086;
	s6 =	sadd.s32 @!p0 s3, s7;
	s7 =	simm.s32 @!p0 $0x108  }
0x21: {  	s3 =	sadd.s32 s3, s9;
	s6 =	sadd.s32 @!p0 $0x88, s6;
	s7 =	simm.s32 @p2 $0x1082  }
0x22: {  	[simem:s7], [sflag:s8] =	dma.local @!p0 [hbm:s6], $0xF7A  }
0x23: {  	s9 =	sor.u32 $0xD0000000, s2;
	s6 =	simm.s32 $0x108;
	_ =	swait.ge @!p0 [sflag:s8], $0x0  }
0x24: {  	s3 =	sadd.s32 $0x88, s3;
	s6 =	simm.s32 @!p1 $0x1082;
	[sflag:s4] =	ssyncset.s32 $0xFFFFF086  }
0x25: {  	[simem:s6], [sflag:s4] =	dma.local [hbm:s3], $0xF7A  }
0x26: {  	[smem:$0x3F9C] =	sst s1;
	(tag) =	ssettag s2;
	_ =	strace s9  }
0x27: {  	s1 =	sld [smem:$0x3FAC]  }
0x28: {  	s2 =	sld [smem:$0x3FAD]  }
0x29: {  	s4 =	sld [smem:$0x3FAF]  }
0x2a: {  	p0 =	seq.s32 s5, $0x0;
	s5 =	sld [smem:$0x3FB0]  }
0x2b: {  	s6 =	sld [smem:$0x3FB1]  }
0x2c: {  	s7 =	sld [smem:$0x3FB2]  }
0x2d: {  	s3 =	simm.s32 $0x108;
	s8 =	sld [smem:$0x3FB3]  }
0x2e: {  	s3 =	simm.s32 @!p0 $0x1082;
	s9 =	sld [smem:$0x3FB4]  }
0x2f: {  	lr =	sadd.s32 s0, s3;
	s0 =	sld [smem:$0x3FAB]  }
0x30: {  	s3 =	sld [smem:$0x3FAE]  }
0x31: {  	[smem:$0x3FB7] =	sst s10  }
0x32: {  	s10 =	sld [smem:$0x3FB5];
	_ =	sdelay $0x3  }
0x33: {  	p0 =	seq.s32 s10, $0x1;
	s10 =	sld [smem:$0x3FB7];
	_ =	sdelay $0x3  }
0x34: {  	[smem:$0x3FB7] =	sst s10  }
0x35: {  	s10 =	sld [smem:$0x3FB6];
	_ =	sdelay $0x3  }
0x36: {  	p1 =	seq.s32 s10, $0x1;
	s10 =	sld [smem:$0x3FB7];
	_ =	sdelay $0x3  }
0x37: {  	[smem:$0x3FB7] =	sst s10  }
0x38: {  	s10 =	sld [smem:$0x3FB8]  }
0x39: {  	_ = 	snop;
	(pc) =	sbr.ind lr, $3  }
0x3a: {  	_ = 	snop  }
0x3b: {  	_ = 	snop  }
0x3c: {  	p2 =	seq.s32 s10, $0x1;
	s10 =	sld [smem:$0x3FB7]  }
0x3d: {  	_ =	shalt  }
0x3e: {  	_ =	shalt  }
0x3f: {  	_ =	shalt  }
0x40: {  	_ =	shalt  }
0x41: {  	_ =	shalt  }
0x42: {  	_ =	shalt  }
0x43: {  	_ =	shalt  }
0x44: {  	_ =	shalt  }
0x45: {  	_ =	shalt  }
0x46: {  	_ =	shalt  }
0x47: {  	_ =	shalt  }
0x48: {  	_ =	shalt  }
0x49: {  	_ =	shalt  }
0x4a: {  	_ =	shalt  }
0x4b: {  	_ =	shalt  }
0x4c: {  	_ =	shalt  }
0x4d: {  	_ =	shalt  }
0x4e: {  	_ =	shalt  }
0x4f: {  	_ =	shalt  }
0x50: {  	_ =	shalt  }
0x51: {  	_ =	shalt  }
0x52: {  	_ =	shalt  }
0x53: {  	_ =	shalt  }
0x54: {  	_ =	shalt  }
0x55: {  	_ =	shalt  }
0x56: {  	_ =	shalt  }
0x57: {  	_ =	shalt  }
0x58: {  	_ =	shalt  }
0x59: {  	_ =	shalt  }
0x5a: {  	_ =	shalt  }
0x5b: {  	_ =	shalt  }
0x5c: {  	_ =	shalt  }
0x5d: {  	_ =	shalt  }
0x5e: {  	_ =	shalt  }
0x5f: {  	_ =	shalt  }
0x60: {  	_ =	shalt  }
0x61: {  	_ =	shalt  }
0x62: {  	_ =	shalt  }
0x63: {  	_ =	shalt  }
0x64: {  	_ =	shalt  }
0x65: {  	_ =	shalt  }
0x66: {  	_ =	shalt  }
0x67: {  	_ =	shalt  }
0x68: {  	_ =	shalt  }
0x69: {  	_ =	shalt  }
0x6a: {  	_ =	shalt  }
0x6b: {  	_ =	shalt  }
0x6c: {  	_ =	shalt  }
0x6d: {  	_ =	shalt  }
0x6e: {  	_ =	shalt  }
0x6f: {  	_ =	shalt  }
0x70: {  	_ =	shalt  }
0x71: {  	_ =	shalt  }
0x72: {  	_ =	shalt  }
0x73: {  	_ =	shalt  }
0x74: {  	_ =	shalt  }
0x75: {  	_ =	shalt  }
0x76: {  	_ =	shalt  }
0x77: {  	_ =	shalt  }
0x78: {  	_ =	shalt  }
0x79: {  	_ =	shalt  }
0x7a: {  	_ =	shalt  }
0x7b: {  	_ =	shalt  }
0x7c: {  	_ =	shalt  }
0x7d: {  	_ =	shalt  }
0x7e: {  	_ =	shalt  }
0x7f: {  	_ =	shalt  }
0x80: {  	_ =	shalt  }
0x81: {  	_ =	shalt  }
0x82: {  	_ =	shalt  }
0x83: {  	_ =	shalt  }
0x84: {  	_ =	shalt  }
0x85: {  	_ =	shalt  }
0x86: {  	_ =	shalt  }
0x87: {  	_ =	shalt  }
.Lfunc_end0:
.L_simem_size_0:
called_computation.1_lowered:
.L_overlay_start_0:
0x88: {  	s2 =	sld [smem:$0x3FD9]  }
0x89: {  	s3 =	sld [smem:$0x3FFE];
	_ =	sdelay $0x1  }
0x8a: {  	s1 =	srdreg.scid  }
0x8b: {  	s0 =	sand.u32 $0x1, s1  }
0x8c: {  	s17 =	sshll.u32 s0, $0xA;
	s2 =	sadd.s32 s3, s2  }
0x8d: {  	s2 =	sadd.s32 s2, s17  }
0x8e: {  	[smem:$0x3FC3] =	sst s2  }
0x8f: {  	_ = 	snop  }
0x90: {  	s2 =	sld [smem:$0x3FC5];
	(tm) =	ssettm $0x1  }
0x91: {  	s18 =	sld [smem:$0x3FFB];
	_ =	sdelay $0x3  }
0x92: {  	_ =	strace s18  }
0x93: {  	s3 =	sld [smem:$0x3FFC];
	_ =	sdelay $0x3  }
0x94: {  	_ =	strace s3  }
0x95: {  	s3 =	sld [smem:$0x3FFD];
	_ =	sdelay $0x3  }
0x96: {  	_ =	strace s3  }
0x97: {  	_ =	strace $0x8FFFFFFF  }
0x98: {  	s19 =	sld [smem:$0x3FDB];
	_ =	sdelay $0x1  }
0x99: {  	s4 =	simm.s32 $_scs_section_size  }
0x9a: {  	s5 =	simm.s32 $_size__tile_overlayer_lowered;
	s6 =	simm.s32 $_tile_overlayer_lowered  }
0x9b: {  	s22 =	simm.s32 $0x1BFF;
	s21 =	sshll.u32 s6, $0x1;
	s3 =	sadd.s32 s4, s19  }
0x9c: {  	s7 =	simm.s32 $0x0;
	s20 =	sshll.u32 s5, $0x1;
	s5 =	sadd.s32 s21, s3  }
0x9d: {  	[timem:s7], [sflag:s22] =	dma.local [hbm:s5], s20  }
0x9e: {  	_ =	swait.ge [sflag:s22], s20  }
0x9f: {  	s4 =	ssub.s32 $0x0, s20;
	[sflag:s22] =	ssyncset.done $0x0  }
0xa0: {  	[sflag:s22] =	ssyncadd.s32 s4;
	_ =	sdelay $0x1  }
0xa1: {  	s23 =	simm.s32 $0x1B8B  }
0xa2: {  	_ =	swait.ge [sflag:s23], $0x1  }
0xa3: {  	[sflag:s23] =	ssyncset.done $0x0  }
0xa4: {  	s25 =	simm.s32 $0x1B8E;
	s24 =	sld [smem:$0x3FFE];
	[sflag:s23] =	ssyncadd.s32 $0xFFFFFFFF  }
0xa5: {  	s26 =	simm.s32 $execute0_lowered;
	[smem:$0x3FD2] =	sst s25  }
0xa6: {  	s5 =	sshll.u32 s26, $0x1;
	_ =	strace $0x80000046;
	[dreg:$0x1] =	wrdreg $0xFFFFFFFF  }
0xa7: {  	s28 =	simm.s32 $_size_execute0_lowered;
	s3 =	sadd.s32 s3, s5;
	[dreg:$0x0] =	wrdreg $0x0  }
0xa8: {  	s5 =	sshll.u32 s28, $0x1;
	[dreg:$0x2] =	wrdreg s3  }
0xa9: {  	[dreg:$0x3] =	wrdreg s5  }
0xaa: {  	[dreg:$0x4] =	wrdreg $0xC0  }
0xab: {  	_ =	task [dreg:s7], $0x5FFFF  }
0xac: {  	[dreg:$0x1] =	wrdreg $0xFFFFFFFF  }
0xad: {  	[dreg:$0x0] =	wrdreg $0x60  }
0xae: {  	[dreg:$0x2] =	wrdreg s2  }
0xaf: {  	[dreg:$0x3] =	wrdreg s24  }
0xb0: {  	[dreg:$0x4] =	wrdreg $0x9  }
0xb1: {  	_ =	task.clear_ibuf [dreg:s7], $0x5FFFF;
	_ =	strace $0x90000046  }
0xb2: {  	s29 =	simm.s32 $0x9;
	_ =	strace $0x80000048  }
0xb3: {  	_ =	swait.ge [sflag:s29], $0x1  }
0xb4: {  	[sflag:s29] =	ssyncadd.s32 $0xFFFFFFFF  }
0xb5: {  	_ =	strace $0x90000048  }
0xb6: {  	_ =	sfence  }
0xb7: {  	s30 =	sld [smem:$0x0];
	_ =	sdelay $0x2  }
0xb8: {  	s31 =	sshll.u32 s1, $0xD;
	s1 =	sshrl.u32 s1, $0x2  }
0xb9: {  	s3 =	sand.u32 $0x4000, s31;
	s1 =	sadd.s32 s1, s30  }
0xba: {  	s0 =	sor.u32 s3, s0;
	s1 =	sshll.u32 s1, $0x11  }
0xbb: {  	s0 =	sor.u32 s1, s0  }
0xbc: {  	s0 =	sadd.s32 $0x8F2B, s0  }
0xbd: {  	[sflag:s0] =	ssyncadd.remote.s32 $0x1  }
0xbe: {  	_ =	sfence.sel $0xFFFF  }
0xbf: {  	[dreg:$0x0] =	wrdreg $0xFFFFFFFF;
	(pc) =	sbr.abs _section_cstart, $3  }
0xc0: {  	[dreg:$0x1] =	wrdreg $0xFFFFFFFF  }
0xc1: {  	_ =	task.clear_ibuf [dreg:s7], $0x2FFFF;
	_ =	strace $0x9FFFFFFF  }
0xc2: {  	(tm) =	ssettm $0x7FFFFFFF  }
0xc3: {  	_ =	shalt  }
tec
execute0_lowered:
.L_overlay_start_1:
0x0: {  	(tag) =	ssettag $0x1  }
0x1: {  	s6 =	rddreg [dreg:$0x0]  }
0x2: {  	s3 =	rddreg [dreg:$0x1]  }
0x3: {  	s0 =	rddreg [dreg:$0x2]  }
0x4: {  	s2 =	simm.s32 $0x0;
	s4 =	srdreg.scid;
	s1 =	stileid.u32  }
0x5: {  	s11 =	simm.s32 $0x1;
	s12 =	simm.s32 $0x0;
	[smem:$0x7FF] =	sst s2  }
0x6: {  	s4 =	sand.u32 $0x1, s4;
	s7 =	sshll.u32 s1, $0xD;
	s8 =	sadd.s32 $0x2400, s3  }
0x7: {  	s3 =	sadd.s32 $0x22400, s3;
	s5 =	ssub.s32 $0x2, s4;
	s4 =	sshll.u32 s4, $0xC  }
0x8: {  	_ =	strace $0x80000047;
	s9 =	sshrl.u32 s5, $0x1;
	s7 =	sor.u32 s4, s7  }
0x9: {  	s9 =	ssub.s32 s5, s9;
	s10 =	sor.u32 $0x800, s7;
	s4 =	sadd.s32 s6, s7  }
0xa: {  	s5 =	sadd.s32 s8, s7;
	s6 =	sadd.s32 s6, s10;
	s7 =	sadd.s32 s8, s10  }
0xb: {  	s8 =	smax.u32 s9, $0x1;
	s9 =	simm.s32 $0x2;
	s10 =	simm.s32 $0x4000  }
.LBB2_1:
0xc: {  	[tilespmem:s2], [sflag:$0x2] =	stream.linear.gather [hbm4b:s4+s2], $0x4000, $0x38;
	[tilespmem:$0x8000] =	vst v63  }
0xd: {  	_ =	swait.ge [sflag:s9], $0x4000  }
0xe: {  	[sflag:s9] =	ssyncset.done $0x0  }
0xf: {  	[sflag:s9] =	ssyncadd.s32 $0xFFFFC000  }
0x10: {  	[tilespmem:s10], [sflag:$0x2] =	stream.linear.gather [hbm4b:s5+s2], $0x4000, $0x38;
	[tilespmem:$0x8000] =	vst v63  }
0x11: {  	_ =	swait.ge [sflag:s9], $0x4000  }
0x12: {  	s13 =	simm.s32 $0x200;
	s15 =	simm.s32 $0x0;
	[sflag:s9] =	ssyncset.done $0x0  }
0x13: {  	s16 =	simm.s32 $0x4000;
	s14 =	simm.s32 $0x80;
	[sflag:s9] =	ssyncadd.s32 $0xFFFFC000  }
.LBB2_2:
0x14: {  	[hbm4b:s3+s14] =	stream.indirect.scatter [tilespmem:s16], [sflag:$0x1], $0x1, s15, s14, $0xb8;
	[tilespmem:$0x8000] =	vst v63  }
0x15: {  	s15 =	smov.u32 s13;
	p0 =	sne.s32 s13, $0xFE00  }
.Ltmp0:
0x16: {  	s13 =	sadd.s32 $0x200, s13;
	(pc) =	sbr.rel @p0 .LBB2_2-.Ltmp0, $3  }
0x17: {  	_ =	sdelay $0x1  }
0x18: {  	s15 =	sshra.s32 s15, $0x2  }
0x19: {  	s16 =	sadd.s32 $0x4000, s15  }
0x1a: {  	[hbm4b:s3+s14] =	stream.indirect.scatter [tilespmem:s16], [sflag:$0x1], $0x1, s15, s14, $0xb8;
	[tilespmem:$0x8000] =	vst v63  }
0x1b: {  	_ =	swait.ge [sflag:s11], $0x80  }
0x1c: {  	s13 =	simm.s32 $0x7F;
	[sflag:s11] =	ssyncset.done $0x0  }
.LBB2_4:
0x1d: {  	p0 =	sne.s32 s13, $0x1;
	s13 =	sadd.s32 $0xFFFFFFFF, s13;
	[sflag:s11] =	ssyncadd.s32 $0xFFFFFF80  }
.Ltmp1:
0x1e: {  	(pc) =	sbr.rel @p0 .LBB2_4-.Ltmp1, $3  }
0x1f: {  	_ =	sdelay $0x1  }
0x20: {  	_ =	swait.ge [sflag:s11], $0x80  }
0x21: {  	[sflag:s11] =	ssyncset.done $0x0  }
0x22: {  	[sflag:s11] =	ssyncadd.s32 $0xFFFFFF80;
	s13 =	simm.s32 $0x0  }
0x23: {  	[tilespmem:s13], [sflag:$0x2] =	stream.linear.gather [hbm4b:s6+s13], $0x4000, $0x38;
	[tilespmem:$0x8000] =	vst v63  }
0x24: {  	_ =	swait.ge [sflag:s9], $0x4000  }
0x25: {  	[sflag:s9] =	ssyncset.done $0x0  }
0x26: {  	[sflag:s9] =	ssyncadd.s32 $0xFFFFC000  }
0x27: {  	[tilespmem:s10], [sflag:$0x2] =	stream.linear.gather [hbm4b:s7+s13], $0x4000, $0x38;
	[tilespmem:$0x8000] =	vst v63  }
0x28: {  	_ =	swait.ge [sflag:s9], $0x4000  }
0x29: {  	s15 =	simm.s32 $0x0;
	s16 =	simm.s32 $0x4000;
	[sflag:s9] =	ssyncset.done $0x0  }
0x2a: {  	s14 =	simm.s32 $0x80;
	s13 =	simm.s32 $0x200;
	[sflag:s9] =	ssyncadd.s32 $0xFFFFC000  }
.LBB2_6:
0x2b: {  	[hbm4b:s3+s14] =	stream.indirect.scatter [tilespmem:s16], [sflag:$0x1], $0x1, s15, s14, $0xb8;
	[tilespmem:$0x8000] =	vst v63  }
0x2c: {  	s15 =	smov.u32 s13;
	p0 =	sne.s32 s13, $0xFE00  }
.Ltmp2:
0x2d: {  	s13 =	sadd.s32 $0x200, s13;
	(pc) =	sbr.rel @p0 .LBB2_6-.Ltmp2, $3  }
0x2e: {  	_ =	sdelay $0x1  }
0x2f: {  	s15 =	sshra.s32 s15, $0x2  }
0x30: {  	s16 =	sadd.s32 $0x4000, s15  }
0x31: {  	[hbm4b:s3+s14] =	stream.indirect.scatter [tilespmem:s16], [sflag:$0x1], $0x1, s15, s14, $0xb8;
	[tilespmem:$0x8000] =	vst v63  }
0x32: {  	_ =	swait.ge [sflag:s11], $0x80  }
0x33: {  	s13 =	simm.s32 $0x7F;
	[sflag:s11] =	ssyncset.done $0x0  }
.LBB2_8:
0x34: {  	p0 =	sne.s32 s13, $0x1;
	s13 =	sadd.s32 $0xFFFFFFFF, s13;
	[sflag:s11] =	ssyncadd.s32 $0xFFFFFF80  }
.Ltmp3:
0x35: {  	(pc) =	sbr.rel @p0 .LBB2_8-.Ltmp3, $3  }
0x36: {  	_ =	sdelay $0x1  }
0x37: {  	_ =	swait.ge [sflag:s11], $0x80  }
0x38: {  	[sflag:s11] =	ssyncset.done $0x0  }
0x39: {  	s12 =	sadd.s32 $0x1, s12  }
0x3a: {  	p0 =	sne.s32 s12, s8  }
.Ltmp4:
0x3b: {  	_ = 	snop;
	(pc) =	sbr.rel @p0 .LBB2_1-.Ltmp4, $2  }
0x3c: {  	_ =	sdelay $0x2  }
0x3d: {  	[sflag:s11] =	ssyncadd.s32 $0xFFFFFF80  }
0x3e: {  	_ =	sfence.sel $0x180000  }
0x3f: {  	[bflag:$0x0] =	sbarrier.arrive $0xFFFF  }
0x40: {  	p0 =	sne.s32 s1, $0x0;
	_ =	strace $0x90000047  }
0x41: {  	s0 =	sadd.s32 @!p0 $0x100000, s0;
	[bflag:$0x2] =	sbarrier.arrive $0xFFFF  }
0x42: {  	[sflag:s0] =	ssyncadd.tile.s32 @!p0 $0x1;
	_ =	shalt  }
.Lfunc_end2:
_tile_overlayer_lowered:
.L_overlay_start_2:
0x43: {  	(tag) =	ssettag $0x2  }
0x44: {  	s0 =	rddreg [dreg:$0x0];
	s2 =	stileid.u32  }
0x45: {  	s1 =	rddreg [dreg:$0x1];
	p0 =	sne.s32 s2, $0x0  }
0x46: {  	s3 =	rddreg [dreg:$0x2];
	[bflag:$0x3] =	sbarrier.arrive $0xFFFF;
	s2 =	simm.s32 @!p0 $0x1C02  }
0x47: {  	[timem:s3], [sflag:s2] =	dma.local @!p0 [hbm:s0], s1  }
0x48: {  	s0 =	simm.s32 @!p0 $0x2  }
0x49: {  	_ =	swait.ge @!p0 [sflag:s0], s1  }
0x4a: {  	s1 =	ssub.s32 @!p0 $0x0, s1;
	[sflag:s0] =	ssyncset.done @!p0 $0x0  }
0x4b: {  	[sflag:s0] =	ssyncadd.s32 @!p0 s1  }
0x4c: {  	[bflag:$0x3] =	sbarrier.arrive $0xFFFF  }
0x4d: {  	_ =	shalt  }

// kernel: sparse-core-data-format-call.cloned.1.call-start
scs
called_computation_lowered:
.L_overlay_start_0:
0x0: {  	s2 =	sld [smem:$0x3FD9]  }
0x1: {  	s3 =	sld [smem:$0x3FFE];
	_ =	sdelay $0x1  }
0x2: {  	s1 =	srdreg.scid  }
0x3: {  	s0 =	sand.u32 $0x1, s1  }
0x4: {  	s18 =	sshll.u32 s0, $0xA;
	s2 =	sadd.s32 s3, s2  }
0x5: {  	s2 =	sadd.s32 s2, s18  }
0x6: {  	[smem:$0x3FC3] =	sst s2  }
0x7: {  	_ = 	snop  }
0x8: {  	s19 =	sld [smem:$0x3FD0];
	(tm) =	ssettm $0x1  }
0x9: {  	s20 =	sld [smem:$0x3FFB];
	_ =	sdelay $0x3  }
0xa: {  	_ =	strace s20  }
0xb: {  	s2 =	sld [smem:$0x3FFC];
	_ =	sdelay $0x3  }
0xc: {  	_ =	strace s2  }
0xd: {  	s2 =	sld [smem:$0x3FFD];
	_ =	sdelay $0x3  }
0xe: {  	_ =	strace s2  }
0xf: {  	_ =	strace $0x8FFFFFFF  }
0x10: {  	s21 =	sld [smem:$0x3FDB];
	_ =	sdelay $0x1  }
0x11: {  	s4 =	simm.s32 $_scs_section_size  }
0x12: {  	s5 =	simm.s32 $_size__tile_overlayer_lowered;
	s6 =	simm.s32 $_tile_overlayer_lowered  }
0x13: {  	s7 =	simm.s32 $0x1BFF;
	s22 =	sshll.u32 s6, $0x1;
	s4 =	sadd.s32 s4, s21  }
0x14: {  	s23 =	simm.s32 $0x0;
	s5 =	sshll.u32 s5, $0x1;
	s6 =	sadd.s32 s22, s4  }
0x15: {  	[timem:s23], [sflag:s7] =	dma.local [hbm:s6], s5  }
0x16: {  	_ =	swait.ge [sflag:s7], s5  }
0x17: {  	s5 =	ssub.s32 $0x0, s5;
	[sflag:s7] =	ssyncset.done $0x0  }
0x18: {  	[sflag:s7] =	ssyncadd.s32 s5;
	_ =	sdelay $0x1  }
0x19: {  	s24 =	simm.s32 $0x1B8B  }
0x1a: {  	_ =	swait.ge [sflag:s24], $0x1  }
0x1b: {  	[sflag:s24] =	ssyncset.done $0x0  }
0x1c: {  	[sflag:s24] =	ssyncadd.s32 $0xFFFFFFFF  }
0x1d: {  	s5 =	sld [smem:$0x0]  }
0x1e: {  	s6 =	sand.u32 $0xFFFFFFFE, s1  }
0x1f: {  	p0 =	sne.s32 s1, s6  }
0x20: {  	s6 =	sshll.u32 @p0 s6, $0xE  }
0x21: {  	s6 =	sadd.s32 @p0 $0x11B8D, s6;
	s7 =	sshll.u32 @p0 s5, $0x11  }
0x22: {  	s6 =	sor.u32 @p0 s7, s6  }
0x23: {  	[sflag:s6] =	ssyncadd.remote.s32 @p0 $0x1;
	_ =	sdelay $0x1  }
0x24: {  	s6 =	simm.s32 @p0 $0x1B8D  }
0x25: {  	_ =	swait.eq @p0 [sflag:s6], $0x1  }
0x26: {  	[sflag:s6] =	ssyncadd.s32 @p0 $0xFFFFFFFF  }
0x27: {  	s7 =	sshll.u32 @!p0 s1, $0xE  }
0x28: {  	s7 =	sor.u32 @!p0 $0x4000, s7;
	s6 =	simm.s32 @!p0 $0x1B8D  }
0x29: {  	s5 =	sshll.u32 @!p0 s5, $0x11;
	s7 =	sadd.s32 @!p0 $0x11B8D, s7;
	_ =	swait.eq @!p0 [sflag:s6], $0x1  }
0x2a: {  	s5 =	sor.u32 @!p0 s5, s7;
	[sflag:s6] =	ssyncadd.s32 @!p0 $0xFFFFFFFF  }
0x2b: {  	s26 =	simm.s32 $0x1B8E;
	s25 =	sld [smem:$0x3FFE];
	[sflag:s5] =	ssyncadd.remote.s32 @!p0 $0x1  }
0x2c: {  	s27 =	simm.s32 $execute0_lowered;
	[smem:$0x3FD2] =	sst s26  }
0x2d: {  	s6 =	sshll.u32 s27, $0x1;
	_ =	strace $0x8000004C;
	[dreg:$0x1] =	wrdreg $0xFFFFFFFF  }
0x2e: {  	s28 =	simm.s32 $_size_execute0_lowered;
	s4 =	sadd.s32 s4, s6;
	[dreg:$0x0] =	wrdreg $0x0  }
0x2f: {  	s6 =	sshll.u32 s28, $0x1;
	[dreg:$0x2] =	wrdreg s4  }
0x30: {  	[dreg:$0x3] =	wrdreg s6  }
0x31: {  	[dreg:$0x4] =	wrdreg $0xC0  }
0x32: {  	_ =	task [dreg:s23], $0x5FFFF  }
0x33: {  	[dreg:$0x1] =	wrdreg $0xFFFFFFFF  }
0x34: {  	[dreg:$0x0] =	wrdreg $0x60  }
0x35: {  	[dreg:$0x2] =	wrdreg s25  }
0x36: {  	[dreg:$0x3] =	wrdreg s19  }
0x37: {  	[dreg:$0x4] =	wrdreg $0x9  }
0x38: {  	_ =	task.clear_ibuf [dreg:s23], $0x5FFFF;
	_ =	strace $0x9000004C  }
0x39: {  	s29 =	simm.s32 $0x9;
	_ =	strace $0x8000004E  }
0x3a: {  	_ =	swait.ge [sflag:s29], $0x1  }
0x3b: {  	[sflag:s29] =	ssyncadd.s32 $0xFFFFFFFF  }
0x3c: {  	_ =	strace $0x9000004E  }
0x3d: {  	_ =	sfence  }
0x3e: {  	s30 =	sld [smem:$0x0];
	_ =	sdelay $0x2  }
0x3f: {  	s31 =	sshll.u32 s1, $0xD;
	s1 =	sshrl.u32 s1, $0x2  }
0x40: {  	s4 =	sand.u32 $0x4000, s31;
	s1 =	sadd.s32 s1, s30  }
0x41: {  	s0 =	sor.u32 s4, s0;
	s1 =	sshll.u32 s1, $0x11  }
0x42: {  	s0 =	sor.u32 s1, s0  }
0x43: {  	s0 =	sadd.s32 $0x8F2B, s0  }
0x44: {  	[sflag:s0] =	ssyncadd.remote.s32 $0x1  }
0x45: {  	_ =	sfence.sel $0xFFFF  }
0x46: {  	[dreg:$0x0] =	wrdreg $0xFFFFFFFF;
	(pc) =	sbr.abs _section_cstart, $3  }
0x47: {  	[dreg:$0x1] =	wrdreg $0xFFFFFFFF  }
0x48: {  	_ =	task.clear_ibuf [dreg:s23], $0x2FFFF;
	_ =	strace $0x9FFFFFFF  }
0x49: {  	(tm) =	ssettm $0x7FFFFFFF  }
tec
execute0_lowered:
.L_overlay_start_1:
0x0: {  	(tag) =	ssettag $0x1  }
0x1: {  	s1 =	rddreg [dreg:$0x0]  }
0x2: {  	s2 =	rddreg [dreg:$0x1]  }
0x3: {  	s0 =	rddreg [dreg:$0x2];
	_ =	strace $0x8000004D;
	s4 =	srdreg.scid  }
0x4: {  	s6 =	simm.s32 $0x2;
	s11 =	simm.s32 $0x0;
	p0 =	por $0x0, $0x0  }
.Ltmp0:
0x5: {  	s7 =	simm.s32 $0x2000;
	s12 =	simm.s32 $0x0;
	(pc) =	sbr.rel .LBB1_1-.Ltmp0, $4  }
0x6: {  	s9 =	simm.s32 $0x0;
	s3 =	sadd.s32 $0x262400, s1;
	s5 =	sshll.u32 s4, $0x4  }
0x7: {  	s1 =	stileid.u32;
	s4 =	simm.s32 $0x1;
	s5 =	sand.u32 $0x10, s5  }
0x8: {  	s8 =	simm.s32 $0x0;
	[sflag:s4] =	ssyncpa.u1 $0x0;
	s5 =	sor.u32 s1, s5  }
0x9: {  	[sflag:s6] =	ssyncpa.u1 $0x0;
	s6 =	simm.s32 $0x800;
	s10 =	smov.u32 s5  }
.LBB1_7:
0xa: {  	s13 =	sadd.s32 $0x10, s9  }
0xb: {  	s11 =	sadd.s32 $0x20, s10;
	s15 =	smov.u32 s10;
	p2 =	sgt.s32 s13, $0x3F  }
0xc: {  	p1 =	slt.u32 s8, $0x2;
	s15 =	smov.u32 @p2 s11  }
0xd: {  	s8 =	sadd.s32 $0x1, s8;
	s13 =	simm.s32 @p2 $0x0;
	p2 =	sgt.s32 s15, $0xFF  }
0xe: {  	s15 =	smov.u32 @p2 s5;
	p2 =	sne.s32 s8, $0x22  }
.Ltmp1:
0xf: {  	_ = 	snop;
	(pc) =	sbr.rel @!p2 .LBB1_8-.Ltmp1, $4  }
0x10: {  	s14 =	simm.s32 @!p1 $0x2  }
0x11: {  	s12 =	smov.u32 s10;
	_ =	swait.ge @!p1 [sflag:s14], $0x4000  }
0x12: {  	p0 =	por !p0, !p0;
	s11 =	smov.u32 s9;
	[sflag:s14] =	ssyncset.done @!p1 $0x0  }
0x13: {  	s9 =	smov.u32 s13;
	[sflag:s14] =	ssyncadd.s32 @!p1 $0xFFFFC000;
	s10 =	smov.u32 s15  }
.LBB1_1:
0x14: {  	p1 =	sgt.u32 s8, $0x1F  }
0x15: {  	s13 =	sxor.u32 @!p1 $0xFFFFFFFF, s8;
	s14 =	sshll.u32 @!p1 s10, $0xD  }
0x16: {  	s15 =	sshll.u32 @!p1 s9, $0x7;
	s13 =	sshll.u32 @!p1 s13, $0xE;
	s14 =	sadd.s32 @!p1 s3, s14  }
0x17: {  	s13 =	sand.u32 @!p1 $0x4000, s13;
	s14 =	sadd.s32 @!p1 s15, s14;
	s15 =	simm.s32 @!p1 $0x0  }
0x18: {  	[tilespmem:s13], [sflag:$0x1] =	stream.linear.gather @!p1 [hbm4b:s14+s15], $0x4000, $0x38;
	[tilespmem:$0x10000] =	vst v63  }
0x19: {  	p1 =	seq.s32 s8, $0x0  }
0x1a: {  	p2 =	seq.s32 @!p1 s8, $0x21  }
0x1b: {  	p1 =	por p1, p2  }
.Ltmp2:
0x1c: {  	_ = 	snop;
	(pc) =	sbr.rel @p1 .LBB1_7-.Ltmp2, $1  }
0x1d: {  	_ =	sdelay $0x3  }
0x1e: {  	s13 =	simm.s32 $0x1;
	_ =	swait.ge [sflag:s4], $0x4000;
	s16 =	sshll.u32 s8, $0xE  }
0x1f: {  	s13 =	simm.s32 @!p0 $0x0;
	[sflag:s4] =	ssyncset.done $0x0;
	s31 =	sand.u32 $0x4000, s16  }
0x20: {  	s16 =	simm.s32 $0x0;
	s14 =	sshll.u32 s13, $0xE;
	[sflag:s4] =	ssyncadd.s32 $0xFFFFC000  }
0x21: {  	s13 =	sor.u32 $0x8040, s14;
	s15 =	sor.u32 $0x40, s14;
	s14 =	sor.u32 $0x8000, s31  }
.LBB1_3:
0x22: {  	v0 =	vmov s15;
	_ =	sdelay $0x3  }
0x23: {  	s18 =	simm.s32 $0x0  }
0x24: {  	v6 =	vld.idx.msk [tilespmem:v0+s18+$0x30 ss:$0x1], $0xffff  }
0x25: {  	v7 =	vld.idx.msk [tilespmem:v0+s18+$0xFFFFFFC0 ss:$0x1], $0xffff  }
0x26: {  	v5 =	vld.idx.msk [tilespmem:v0+s18+$0xFFFFFFD0 ss:$0x1], $0xffff  }
0x27: {  	v4 =	vld.idx.msk [tilespmem:v0+s18+$0xFFFFFFE0 ss:$0x1], $0xffff  }
0x28: {  	v3 =	vld.idx.msk [tilespmem:v0+s18+$0xFFFFFFF0 ss:$0x1], $0xffff  }
0x29: {  	v1 =	vld.idx.msk [tilespmem:v0+s18+$0x0 ss:$0x1], $0xffff  }
0x2a: {  	v2 =	vld.idx.msk [tilespmem:v0+s18+$0x10 ss:$0x1], $0xffff;
	[tilespmem:s13+$0x30] =	vst v6  }
0x2b: {  	s17 =	simm.s32 $0x80;
	s19 =	simm.s32 $0x400;
	[tilespmem:s13+$0xFFFFFFC0] =	vst v7;
	v6 =	vld.idx.msk [tilespmem:v0+s18+$0x20 ss:$0x1], $0xffff;
	s18 =	smov.u32 s13  }
.LBB1_4:
0x2c: {  	p1 =	sne.s32 s19, $0xE00;
	v7 =	vld.idx.msk [tilespmem:v0+s17+$0x30 ss:$0x1], $0xffff;
	[tilespmem:s18+$0xFFFFFFD0] =	vst v5  }
0x2d: {  	v8 =	vld.idx.msk [tilespmem:v0+s17+$0xFFFFFFC0 ss:$0x1], $0xffff;
	[tilespmem:s18+$0xFFFFFFE0] =	vst v4  }
0x2e: {  	v5 =	vld.idx.msk [tilespmem:v0+s17+$0xFFFFFFD0 ss:$0x1], $0xffff;
	[tilespmem:s18+$0xFFFFFFF0] =	vst v3  }
.Ltmp3:
0x2f: {  	v4 =	vld.idx.msk [tilespmem:v0+s17+$0xFFFFFFE0 ss:$0x1], $0xffff;
	[tilespmem:s18+$0x0] =	vst v1;
	(pc) =	sbr.rel @p1 .LBB1_4-.Ltmp3, $4  }
0x30: {  	v3 =	vld.idx.msk [tilespmem:v0+s17+$0xFFFFFFF0 ss:$0x1], $0xffff;
	[tilespmem:s18+$0x10] =	vst v2  }
0x31: {  	v1 =	vld.idx.msk [tilespmem:v0+s17+$0x0 ss:$0x1], $0xffff;
	[tilespmem:s18+$0x20] =	vst v6;
	s18 =	sadd.s32 $0x800, s18  }
0x32: {  	v2 =	vld.idx.msk [tilespmem:v0+s17+$0x10 ss:$0x1], $0xffff;
	[tilespmem:s18+$0x30] =	vst v7  }
0x33: {  	[tilespmem:s18+$0xFFFFFFC0] =	vst v8;
	v6 =	vld.idx.msk [tilespmem:v0+s17+$0x20 ss:$0x1], $0xffff;
	s17 =	sshra.s32 s19, $0x2;
	s19 =	sadd.s32 $0x200, s19  }
0x34: {  	_ =	sdelay $0x2  }
0x35: {  	[tilespmem:s18+$0xFFFFFFD0] =	vst v5  }
0x36: {  	v56 =	vld.idx.msk [tilespmem:v0+s17+$0x30 ss:$0x1], $0xffff;
	[tilespmem:s18+$0xFFFFFFE0] =	vst v4  }
0x37: {  	v57 =	vld.idx.msk [tilespmem:v0+s17+$0xFFFFFFC0 ss:$0x1], $0xffff;
	[tilespmem:s18+$0xFFFFFFF0] =	vst v3  }
0x38: {  	v58 =	vld.idx.msk [tilespmem:v0+s17+$0xFFFFFFD0 ss:$0x1], $0xffff;
	[tilespmem:s18+$0x0] =	vst v1  }
0x39: {  	v59 =	vld.idx.msk [tilespmem:v0+s17+$0xFFFFFFE0 ss:$0x1], $0xffff;
	[tilespmem:s18+$0x10] =	vst v2  }
0x3a: {  	v60 =	vld.idx.msk [tilespmem:v0+s17+$0xFFFFFFF0 ss:$0x1], $0xffff;
	s31 =	sadd.s32 $0x800, s18;
	[tilespmem:s18+$0x20] =	vst v6  }
0x3b: {  	v61 =	vld.idx.msk [tilespmem:v0+s17+$0x0 ss:$0x1], $0xffff;
	[tilespmem:s31+$0x30] =	vst v56  }
0x3c: {  	v62 =	vld.idx.msk [tilespmem:v0+s17+$0x10 ss:$0x1], $0xffff;
	s16 =	sadd.s32 $0x1, s16;
	[tilespmem:s31+$0xFFFFFFC0] =	vst v57  }
0x3d: {  	v63 =	vld.idx.msk [tilespmem:v0+s17+$0x20 ss:$0x1], $0xffff;
	p1 =	sne.s32 s16, $0x10;
	[tilespmem:s31+$0xFFFFFFD0] =	vst v58  }
.Ltmp4:
0x3e: {  	[tilespmem:s31+$0xFFFFFFE0] =	vst v59;
	(pc) =	sbr.rel @p1 .LBB1_3-.Ltmp4, $4  }
0x3f: {  	[tilespmem:s31+$0xFFFFFFF0] =	vst v60  }
0x40: {  	[tilespmem:s31+$0x0] =	vst v61  }
0x41: {  	[tilespmem:s31+$0x10] =	vst v62  }
0x42: {  	s13 =	sadd.s32 $0x80, s13;
	s15 =	sadd.s32 $0x400, s15;
	[tilespmem:s31+$0x20] =	vst v63  }
.Ltmp5:
0x43: {  	(pc) =	sbr.rel .LBB1_7-.Ltmp5, $4  }
0x44: {  	s12 =	sshll.u32 s12, $0xD;
	s11 =	sshll.u32 s11, $0x4  }
0x45: {  	s11 =	sand.u32 $0x3F0, s11;
	s12 =	sadd.s32 s2, s12  }
0x46: {  	s11 =	sadd.s32 s11, s12  }
0x47: {  	[hbm4b:s11+s6] =	stream.strided.scatter [tilespmem:s14], [sflag:$0x2], $0x4000, s7, s6, $0x38;
	[tilespmem:$0x10000] =	vst v63  }
.LBB1_8:
0x48: {  	_ =	sfence.sel $0x180000  }
0x49: {  	s2 =	simm.s32 $0x1;
	[bflag:$0x0] =	sbarrier.arrive $0xFFFF  }
0x4a: {  	s31 =	simm.s32 $0x2;
	[sflag:s2] =	ssyncpa.u1 $0x1  }
0x4b: {  	[sflag:s31] =	ssyncpa.u1 $0x1  }
0x4c: {  	p0 =	sne.s32 s1, $0x0;
	_ =	strace $0x9000004D  }
0x4d: {  	s0 =	sadd.s32 @!p0 $0x100000, s0;
	[bflag:$0x2] =	sbarrier.arrive $0xFFFF  }
0x4e: {  	[sflag:s0] =	ssyncadd.tile.s32 @!p0 $0x1;
	_ =	shalt  }
.Lfunc_end1:
_tile_overlayer_lowered:
.L_overlay_start_2:
0x4f: {  	(tag) =	ssettag $0x2  }
0x50: {  	s0 =	rddreg [dreg:$0x0];
	s2 =	stileid.u32  }
0x51: {  	s1 =	rddreg [dreg:$0x1];
	p0 =	sne.s32 s2, $0x0  }
0x52: {  	s3 =	rddreg [dreg:$0x2];
	[bflag:$0x3] =	sbarrier.arrive $0xFFFF;
	s2 =	simm.s32 @!p0 $0x1C01  }
0x53: {  	[timem:s3], [sflag:s2] =	dma.local @!p0 [hbm:s0], s1  }
0x54: {  	s0 =	simm.s32 @!p0 $0x1  }
0x55: {  	_ =	swait.ge @!p0 [sflag:s0], s1  }
0x56: {  	s1 =	ssub.s32 @!p0 $0x0, s1;
	[sflag:s0] =	ssyncset.done @!p0 $0x0  }
0x57: {  	[sflag:s0] =	ssyncadd.s32 @!p0 s1  }
0x58: {  	[bflag:$0x3] =	sbarrier.arrive $0xFFFF  }
0x59: {  	_ =	shalt  }

</sc_bundles>
